<compile_context>
chip_gen: v7x
topology: tpu7x:2x2x1
jax: 0.10.2.dev20260603
libtpu: 0.0.44.dev20260713+nightly
codegen_flags: <defaults>
</compile_context>

<pallas_src>
import functools

import jax
import jax.numpy as jnp
from jax import lax
from jax.experimental import pallas as pl
from jax.experimental.pallas import tpu as pltpu
from jax.experimental.pallas import tpu_sc as plsc

_N = 10000
_E = 160000
_NODE = 256
_EDGE = 256
_NRBF = 32
_RCUT = 5.0

_F32 = jnp.float32
_BF16 = jnp.bfloat16

_TE = 8000
_NC = 2
_NS = 16
_EPT = _E // _NS
_K = 80
_NCH = _EPT // _K
_NBUF = 2
_RPT = 640
_RPT_LAST = _N - _RPT * (_NS - 1)
_TN = 5000


def _edge_mlp_body(d_ref, w1_ref, b1_ref, w2_ref, b2_ref, o0_ref, o1_ref):
    d = d_ref[...]
    centers = lax.broadcasted_iota(jnp.int32, (_TE, _NRBF), 1).astype(_F32) * (
        _RCUT / (_NRBF - 1))
    rbf = jnp.exp(-((d - centers) ** 2) * 5.0).astype(_BF16)
    h = jnp.dot(rbf, w1_ref[...], preferred_element_type=_F32) + b1_ref[...]
    h = h * jax.nn.sigmoid(h)
    e = jnp.dot(h.astype(_BF16), w2_ref[...],
                preferred_element_type=_F32) + b2_ref[...]
    e = e * jax.nn.sigmoid(e)
    o0_ref[...] = e[:, :128]
    o1_ref[...] = e[:, 128:]


def _edge_mlp(dist2, e_w1, e_b1, e_w2, e_b2):
    n_blocks = _E // _TE
    return pl.pallas_call(
        _edge_mlp_body,
        grid=(n_blocks,),
        in_specs=[
            pl.BlockSpec((_TE, 1), lambda i: (i, 0)),
            pl.BlockSpec((_NRBF, _EDGE), lambda i: (0, 0)),
            pl.BlockSpec((1, _EDGE), lambda i: (0, 0)),
            pl.BlockSpec((_EDGE, _EDGE), lambda i: (0, 0)),
            pl.BlockSpec((1, _EDGE), lambda i: (0, 0)),
        ],
        out_specs=[
            pl.BlockSpec((_TE, 128), lambda i: (i, 0)),
            pl.BlockSpec((_TE, 128), lambda i: (i, 0)),
        ],
        out_shape=[
            jax.ShapeDtypeStruct((_E, 128), _F32),
            jax.ShapeDtypeStruct((_E, 128), _F32),
        ],
    )(dist2, e_w1, e_b1, e_w2, e_b2)


def _scatter_body(e0_hbm, e1_hbm, recv_hbm, zrows_hbm, m0_hbm, m1_hbm,
                  ed0_v, ed1_v, idx0_v, idx1_v,
                  acc_sh, sem0, sem1, ssem0, ssem1):
    c = lax.axis_index("c")
    s = lax.axis_index("s")

    rbase = s * _RPT

    @pl.when(s < _NS - 1)
    def _():
        pltpu.sync_copy(zrows_hbm, acc_sh.at[pl.ds(rbase, _RPT), :])

    @pl.when(s == _NS - 1)
    def _():
        pltpu.sync_copy(zrows_hbm.at[pl.ds(0, _RPT_LAST), :],
                        acc_sh.at[pl.ds(rbase, _RPT_LAST), :])

    plsc.subcore_barrier()

    ebase = s * _EPT
    bufs = (ed0_v, ed1_v)
    idxs = (idx0_v, idx1_v)
    sems = (sem0, sem1)
    ssems = (ssem0, ssem1)

    def start(j, b):
        off = ebase + j * _K
        pltpu.async_copy(recv_hbm.at[pl.ds(off, _K)], idxs[b], sems[b])

        @pl.when(c == 0)
        def _():
            pltpu.async_copy(e0_hbm.at[pl.ds(off, _K), :], bufs[b], sems[b])

        @pl.when(c == 1)
        def _():
            pltpu.async_copy(e1_hbm.at[pl.ds(off, _K), :], bufs[b], sems[b])

    def wait_load(b):
        pltpu.make_async_copy(
            recv_hbm.at[pl.ds(0, _K)], idxs[b], sems[b]).wait()
        pltpu.make_async_copy(
            e0_hbm.at[pl.ds(0, _K), :], bufs[b], sems[b]).wait()

    def wait_scatter(b):
        pltpu.make_async_copy(bufs[b], acc_sh.at[idxs[b]], ssems[b]).wait()

    start(0, 0)

    def body(g, carry):
        for b in range(_NBUF):
            j = g * _NBUF + b
            wait_load(b)
            pltpu.async_copy(bufs[b], acc_sh.at[idxs[b]], ssems[b], add=True)

            @pl.when(j + 1 < _NCH)
            def _():
                @pl.when(j >= 1)
                def _():
                    wait_scatter(1 - b)

                start(j + 1, 1 - b)
        return carry

    lax.fori_loop(0, _NCH // _NBUF, body, 0)
    wait_load(0)
    pltpu.async_copy(bufs[0], acc_sh.at[idxs[0]], ssems[0], add=True)
    wait_scatter(1)
    wait_scatter(0)
    plsc.subcore_barrier()

    @pl.when(jnp.logical_and(c == 0, s < _NS - 1))
    def _():
        pltpu.sync_copy(acc_sh.at[pl.ds(rbase, _RPT), :],
                        m0_hbm.at[pl.ds(rbase, _RPT), :])

    @pl.when(jnp.logical_and(c == 0, s == _NS - 1))
    def _():
        pltpu.sync_copy(acc_sh.at[pl.ds(rbase, _RPT_LAST), :],
                        m0_hbm.at[pl.ds(rbase, _RPT_LAST), :])

    @pl.when(jnp.logical_and(c == 1, s < _NS - 1))
    def _():
        pltpu.sync_copy(acc_sh.at[pl.ds(rbase, _RPT), :],
                        m1_hbm.at[pl.ds(rbase, _RPT), :])

    @pl.when(jnp.logical_and(c == 1, s == _NS - 1))
    def _():
        pltpu.sync_copy(acc_sh.at[pl.ds(rbase, _RPT_LAST), :],
                        m1_hbm.at[pl.ds(rbase, _RPT_LAST), :])


def _scatter(e0, e1, recv, zrows):
    mesh = plsc.VectorSubcoreMesh(
        core_axis_name="c", subcore_axis_name="s",
        num_cores=_NC, num_subcores=_NS)
    return pl.kernel(
        _scatter_body,
        out_type=(
            jax.ShapeDtypeStruct((_N, 128), _F32),
            jax.ShapeDtypeStruct((_N, 128), _F32),
        ),
        mesh=mesh,
        scratch_types=[
            pltpu.VMEM((_K, 128), _F32),
            pltpu.VMEM((_K, 128), _F32),
            pltpu.VMEM((_K,), jnp.int32),
            pltpu.VMEM((_K,), jnp.int32),
            pltpu.VMEM_SHARED((_N, 128), _F32),
            pltpu.SemaphoreType.DMA,
            pltpu.SemaphoreType.DMA,
            pltpu.SemaphoreType.DMA,
            pltpu.SemaphoreType.DMA,
        ],
    )(e0, e1, recv, zrows)


def _node_mlp_body(z_ref, m0_ref, m1_ref, emb_ref,
                   w0_ref, b0_ref, w1_ref, b1_ref, w2_ref, b2_ref,
                   rw_ref, rb_ref, out_ref):
    i = pl.program_id(0)

    zi = z_ref[...]
    onehot = (lax.broadcasted_iota(jnp.int32, (_TN, 128), 1) == zi).astype(
        _BF16)
    x = jnp.dot(onehot, emb_ref[...], preferred_element_type=_F32)

    m0 = m0_ref[...].astype(_BF16)
    m1 = m1_ref[...].astype(_BF16)
    for w_ref, b_ref in ((w0_ref, b0_ref), (w1_ref, b1_ref), (w2_ref, b2_ref)):
        xb = x.astype(_BF16)
        acc = jnp.dot(xb, w_ref[0:_NODE, :], preferred_element_type=_F32)
        acc += jnp.dot(m0, w_ref[_NODE:_NODE + 128, :],
                       preferred_element_type=_F32)
        acc += jnp.dot(m1, w_ref[_NODE + 128:_NODE + 256, :],
                       preferred_element_type=_F32)
        acc += b_ref[...]
        x = acc * jax.nn.sigmoid(acc)

    h = jnp.dot(x.astype(_BF16), rw_ref[...],
                preferred_element_type=_F32) + rb_ref[...]
    h = h * jax.nn.sigmoid(h)
    part = jnp.sum(h, axis=0, keepdims=True) * (1.0 / _N)

    @pl.when(i == 0)
    def _():
        out_ref[...] = jnp.zeros_like(out_ref)

    out_ref[...] += part


def _node_mlp(z2, m0, m1, emb_pad, c_w0, c_b0, c_w1, c_b1, c_w2, c_b2,
              r_w, r_b):
    n_blocks = _N // _TN
    full = lambda shape: pl.BlockSpec(shape, lambda i: tuple(0 for _ in shape))
    return pl.pallas_call(
        _node_mlp_body,
        grid=(n_blocks,),
        in_specs=[
            pl.BlockSpec((_TN, 1), lambda i: (i, 0)),
            pl.BlockSpec((_TN, 128), lambda i: (i, 0)),
            pl.BlockSpec((_TN, 128), lambda i: (i, 0)),
            full((128, _NODE)),
            full((_NODE + _EDGE, _NODE)), full((1, _NODE)),
            full((_NODE + _EDGE, _NODE)), full((1, _NODE)),
            full((_NODE + _EDGE, _NODE)), full((1, _NODE)),
            full((_NODE, 256)), full((1, 256)),
        ],
        out_specs=pl.BlockSpec((1, 256), lambda i: (0, 0)),
        out_shape=jax.ShapeDtypeStruct((1, 256), _F32),
    )(z2, m0, m1, emb_pad, c_w0, c_b0, c_w1, c_b1, c_w2, c_b2, r_w, r_b)


@jax.jit
def kernel(Z, send, recv, dist, emb, e_w1, e_b1, e_w2, e_b2,
           c_w0, c_b0, c_w1, c_b1, c_w2, c_b2, r_w, r_b):
    del send

    dist2 = dist.reshape(_E, 1)
    e0, e1 = _edge_mlp(dist2, e_w1.astype(_BF16), e_b1.reshape(1, _EDGE),
                       e_w2.astype(_BF16), e_b2.reshape(1, _EDGE))

    zrows = jnp.zeros((_RPT, 128), _F32)
    m0, m1 = _scatter(e0, e1, recv.astype(jnp.int32), zrows)

    emb_pad = jnp.zeros((128, _NODE), _BF16).at[:101, :].set(
        emb.astype(_BF16))
    z2 = Z.astype(jnp.int32).reshape(_N, 1)
    g = _node_mlp(z2, m0, m1, emb_pad,
                  c_w0.astype(_BF16), c_b0.reshape(1, _NODE),
                  c_w1.astype(_BF16), c_b1.reshape(1, _NODE),
                  c_w2.astype(_BF16), c_b2.reshape(1, _NODE),
                  r_w.astype(_BF16), r_b.reshape(1, 256))
    return g.reshape(256)

# --- scband reference (transcript-rebuilt; emitter-appended) ---
"""Pipeline reference for scband-crystal-graph-23742579212840 (READ-ONLY COPY).

The authoritative reference and input builder live on the scoring server;
editing this copy changes nothing except your own understanding.
"""

import jax, jax.numpy as jnp
import numpy as np

N = 10000
E = 160000
NODE = 256
EDGE = 256
NRBF = 32
RCUT = 5.0


def setup_inputs(seed: int = 0) -> dict:
    key = jax.random.key(seed)
    ks = jax.random.split(key, 16)
    Z = jax.random.randint(ks[0], (N,), 0, 101)
    send = jax.random.randint(ks[1], (E,), 0, N)
    recv = jax.random.randint(ks[2], (E,), 0, N)
    dist = jax.random.uniform(ks[3], (E,), dtype=jnp.float32) * RCUT
    emb = jax.random.normal(ks[4], (101, NODE), dtype=jnp.float32) * 0.05
    e_w1 = jax.random.normal(ks[5], (NRBF, EDGE), dtype=jnp.float32) * (1.0 / np.sqrt(NRBF))
    e_b1 = jnp.zeros((EDGE,), dtype=jnp.float32)
    e_w2 = jax.random.normal(ks[6], (EDGE, EDGE), dtype=jnp.float32) * (1.0 / np.sqrt(EDGE))
    e_b2 = jnp.zeros((EDGE,), dtype=jnp.float32)
    c_w0 = jax.random.normal(ks[7], (NODE + EDGE, NODE), dtype=jnp.float32) * (1.0 / np.sqrt(NODE + EDGE))
    c_b0 = jnp.zeros((NODE,), dtype=jnp.float32)
    c_w1 = jax.random.normal(ks[8], (NODE + EDGE, NODE), dtype=jnp.float32) * (1.0 / np.sqrt(NODE + EDGE))
    c_b1 = jnp.zeros((NODE,), dtype=jnp.float32)
    c_w2 = jax.random.normal(ks[9], (NODE + EDGE, NODE), dtype=jnp.float32) * (1.0 / np.sqrt(NODE + EDGE))
    c_b2 = jnp.zeros((NODE,), dtype=jnp.float32)
    r_w = jax.random.normal(ks[10], (NODE, 256), dtype=jnp.float32) * (1.0 / np.sqrt(NODE))
    r_b = jnp.zeros((256,), dtype=jnp.float32)
    return {"Z": Z, "send": send, "recv": recv, "dist": dist, "emb": emb,
            "e_w1": e_w1, "e_b1": e_b1, "e_w2": e_w2, "e_b2": e_b2,
            "c_w0": c_w0, "c_b0": c_b0, "c_w1": c_w1, "c_b1": c_b1,
            "c_w2": c_w2, "c_b2": c_b2, "r_w": r_w, "r_b": r_b}


def reference(Z, send, recv, dist, emb, e_w1, e_b1, e_w2, e_b2,
              c_w0, c_b0, c_w1, c_b1, c_w2, c_b2, r_w, r_b):
    centers = jnp.linspace(0.0, RCUT, NRBF)
    rbf = jnp.exp(-((dist[:, None] - centers[None, :]) ** 2) * 5.0)
    e = jax.nn.silu(rbf @ e_w1 + e_b1)
    e = jax.nn.silu(e @ e_w2 + e_b2)
    x = jnp.take(emb, Z, axis=0)
    n_nodes = Z.shape[0]
    for (w, b) in ((c_w0, c_b0), (c_w1, c_b1), (c_w2, c_b2)):
        m = jnp.zeros((n_nodes, e.shape[1]), dtype=x.dtype).at[recv].add(e)
        x = jax.nn.silu(jnp.concatenate([x, m], axis=-1) @ w + b)
    h = jax.nn.silu(x @ r_w + r_b)
    g = h.mean(axis=0)
    return g

if __name__ == "__main__":
    import jax
    _d = setup_inputs()
    print(jax.jit(kernel)(*tuple(_d.values())))

</pallas_src>

<mosaic_0001>
#map = affine_map<(d0, d1) -> (0, 0)>
#map1 = affine_map<(d0, d1) -> (0)>
module attributes {stable_mosaic.version = 14 : i64} {
  func.func @_scatter_body(%arg0: i32, %arg1: i32, %arg2: memref<160000x128xf32, #tpu.memory_space<hbm>>, %arg3: memref<160000x128xf32, #tpu.memory_space<hbm>>, %arg4: memref<160000xi32, #tpu.memory_space<hbm>>, %arg5: memref<640x128xf32, #tpu.memory_space<hbm>>, %arg6: memref<10000x128xf32, #tpu.memory_space<hbm>>, %arg7: memref<10000x128xf32, #tpu.memory_space<hbm>>, %arg8: memref<80x128xf32, #tpu.memory_space<vmem>>, %arg9: memref<80x128xf32, #tpu.memory_space<vmem>>, %arg10: memref<80xi32, #tpu.memory_space<vmem>>, %arg11: memref<80xi32, #tpu.memory_space<vmem>>, %arg12: memref<10000x128xf32, #tpu.memory_space<vmem_shared>>, %arg13: memref<!tpu.dma_semaphore, #tpu.memory_space<semaphore_mem>>, %arg14: memref<!tpu.dma_semaphore, #tpu.memory_space<semaphore_mem>>, %arg15: memref<!tpu.dma_semaphore, #tpu.memory_space<semaphore_mem>>, %arg16: memref<!tpu.dma_semaphore, #tpu.memory_space<semaphore_mem>>) attributes {dimension_semantics = [#tpu.dimension_semantics<core_parallel>, #tpu.dimension_semantics<subcore_parallel>], iteration_bounds = array<i64: 2, 16>, scalar_prefetch = 0 : i64, scratch_operands = 9 : i64, tpu.core_type = #tpu.core_type<sc_vector_subcore>, window_params = [{transform_indices = #map}, {transform_indices = #map}, {transform_indices = #map1}, {transform_indices = #map}, {transform_indices = #map}, {transform_indices = #map}]} {
    %mul3A = arith.constant 640 : i32
    %mul3A_0 = arith.muli %arg1, %mul3A : i32
    %lt3A = arith.constant 15 : i32
    %lt3A_1 = arith.cmpi slt, %arg1, %lt3A : i32
    %convert_element_type3A = arith.extui %lt3A_1 : i1 to i32
    %cond3A = arith.constant 0 : i32
    %cond3A_2 = arith.cmpi ne, %convert_element_type3A, %cond3A : i32
    scf.if %cond3A_2 {
      "tpu.region"() ({
        %run_scoped3A = tpu.sem_alloc : memref<!tpu.dma_semaphore, #tpu.memory_space<semaphore_mem>>
        %dma_start3A_76 = arith.constant 0 : i32
        %dma_start3A_77 = tpu.memref_slice %arg12[%mul3A_0, %dma_start3A_76] : memref<10000x128xf32, #tpu.memory_space<vmem_shared>> -> memref<640x128xf32, #tpu.memory_space<vmem_shared>>
        tpu.enqueue_dma source(%arg5 : memref<640x128xf32, #tpu.memory_space<hbm>>) target(%dma_start3A_77 : memref<640x128xf32, #tpu.memory_space<vmem_shared>>) target_semaphore(%run_scoped3A : memref<!tpu.dma_semaphore, #tpu.memory_space<semaphore_mem>>)
        %dma_wait3A_78 = arith.constant 0 : i32
        %dma_wait3A_79 = tpu.memref_slice %arg12[%mul3A_0, %dma_wait3A_78] : memref<10000x128xf32, #tpu.memory_space<vmem_shared>> -> memref<640x128xf32, #tpu.memory_space<vmem_shared>>
        tpu.wait_dma2 semaphore(%run_scoped3A : memref<!tpu.dma_semaphore, #tpu.memory_space<semaphore_mem>>) src(%arg5 : memref<640x128xf32, #tpu.memory_space<hbm>>) dst(%dma_wait3A_79 : memref<640x128xf32, #tpu.memory_space<vmem_shared>>)
        tpu.yield
      }) : () -> ()
    } else {
    }
    %eq3A = arith.constant 15 : i32
    %eq3A_3 = arith.cmpi eq, %arg1, %eq3A : i32
    %convert_element_type3A_4 = arith.extui %eq3A_3 : i1 to i32
    %cond3A_5 = arith.constant 0 : i32
    %cond3A_6 = arith.cmpi ne, %convert_element_type3A_4, %cond3A_5 : i32
    scf.if %cond3A_6 {
      "tpu.region"() ({
        %run_scoped3A = tpu.sem_alloc : memref<!tpu.dma_semaphore, #tpu.memory_space<semaphore_mem>>
        %dma_start3A_76 = arith.constant 0 : i32
        %dma_start3A_77 = tpu.memref_slice %arg12[%mul3A_0, %dma_start3A_76] : memref<10000x128xf32, #tpu.memory_space<vmem_shared>> -> memref<400x128xf32, #tpu.memory_space<vmem_shared>>
        %dma_start3A_78 = arith.constant 0 : i32
        %dma_start3A_79 = arith.constant 0 : i32
        %dma_start3A_80 = tpu.memref_slice %arg5[%dma_start3A_78, %dma_start3A_79] : memref<640x128xf32, #tpu.memory_space<hbm>> -> memref<400x128xf32, #tpu.memory_space<hbm>>
        tpu.enqueue_dma source(%dma_start3A_80 : memref<400x128xf32, #tpu.memory_space<hbm>>) target(%dma_start3A_77 : memref<400x128xf32, #tpu.memory_space<vmem_shared>>) target_semaphore(%run_scoped3A : memref<!tpu.dma_semaphore, #tpu.memory_space<semaphore_mem>>)
        %dma_wait3A_81 = arith.constant 0 : i32
        %dma_wait3A_82 = tpu.memref_slice %arg12[%mul3A_0, %dma_wait3A_81] : memref<10000x128xf32, #tpu.memory_space<vmem_shared>> -> memref<400x128xf32, #tpu.memory_space<vmem_shared>>
        %dma_wait3A_83 = arith.constant 0 : i32
        %dma_wait3A_84 = arith.constant 0 : i32
        %dma_wait3A_85 = tpu.memref_slice %arg5[%dma_wait3A_83, %dma_wait3A_84] : memref<640x128xf32, #tpu.memory_space<hbm>> -> memref<400x128xf32, #tpu.memory_space<hbm>>
        tpu.wait_dma2 semaphore(%run_scoped3A : memref<!tpu.dma_semaphore, #tpu.memory_space<semaphore_mem>>) src(%dma_wait3A_85 : memref<400x128xf32, #tpu.memory_space<hbm>>) dst(%dma_wait3A_82 : memref<400x128xf32, #tpu.memory_space<vmem_shared>>)
        tpu.yield
      }) : () -> ()
    } else {
    }
    %barrier3A = arith.constant 0 : index
    tpu.barrier barrier_id(%barrier3A)
    %mul3A_7 = arith.constant 10000 : i32
    %mul3A_8 = arith.muli %arg1, %mul3A_7 : i32
    %add3A = arith.constant 0 : i32
    %add3A_9 = arith.addi %mul3A_8, %add3A : i32
    %dma_start3A = tpu.memref_slice %arg4[%add3A_9] : memref<160000xi32, #tpu.memory_space<hbm>> -> memref<80xi32, #tpu.memory_space<hbm>>
    %dma_start3A_10 = tpu.memref_slice %arg4[%add3A_9] : memref<160000xi32, #tpu.memory_space<hbm>> -> memref<80xi32, #tpu.memory_space<hbm>>
    tpu.enqueue_dma source(%dma_start3A_10 : memref<80xi32, #tpu.memory_space<hbm>>) target(%arg10 : memref<80xi32, #tpu.memory_space<vmem>>) target_semaphore(%arg13 : memref<!tpu.dma_semaphore, #tpu.memory_space<semaphore_mem>>)
    %eq3A_11 = arith.constant 0 : i32
    %eq3A_12 = arith.cmpi eq, %arg0, %eq3A_11 : i32
    %convert_element_type3A_13 = arith.extui %eq3A_12 : i1 to i32
    %cond3A_14 = arith.constant 0 : i32
    %cond3A_15 = arith.cmpi ne, %convert_element_type3A_13, %cond3A_14 : i32
    scf.if %cond3A_15 {
      %dma_start3A_76 = arith.constant 0 : i32
      %dma_start3A_77 = tpu.memref_slice %arg2[%add3A_9, %dma_start3A_76] : memref<160000x128xf32, #tpu.memory_space<hbm>> -> memref<80x128xf32, #tpu.memory_space<hbm>>
      %dma_start3A_78 = arith.constant 0 : i32
      %dma_start3A_79 = tpu.memref_slice %arg2[%add3A_9, %dma_start3A_78] : memref<160000x128xf32, #tpu.memory_space<hbm>> -> memref<80x128xf32, #tpu.memory_space<hbm>>
      tpu.enqueue_dma source(%dma_start3A_79 : memref<80x128xf32, #tpu.memory_space<hbm>>) target(%arg8 : memref<80x128xf32, #tpu.memory_space<vmem>>) target_semaphore(%arg13 : memref<!tpu.dma_semaphore, #tpu.memory_space<semaphore_mem>>)
    } else {
    }
    %eq3A_16 = arith.constant 1 : i32
    %eq3A_17 = arith.cmpi eq, %arg0, %eq3A_16 : i32
    %convert_element_type3A_18 = arith.extui %eq3A_17 : i1 to i32
    %cond3A_19 = arith.constant 0 : i32
    %cond3A_20 = arith.cmpi ne, %convert_element_type3A_18, %cond3A_19 : i32
    scf.if %cond3A_20 {
      %dma_start3A_76 = arith.constant 0 : i32
      %dma_start3A_77 = tpu.memref_slice %arg3[%add3A_9, %dma_start3A_76] : memref<160000x128xf32, #tpu.memory_space<hbm>> -> memref<80x128xf32, #tpu.memory_space<hbm>>
      %dma_start3A_78 = arith.constant 0 : i32
      %dma_start3A_79 = tpu.memref_slice %arg3[%add3A_9, %dma_start3A_78] : memref<160000x128xf32, #tpu.memory_space<hbm>> -> memref<80x128xf32, #tpu.memory_space<hbm>>
      tpu.enqueue_dma source(%dma_start3A_79 : memref<80x128xf32, #tpu.memory_space<hbm>>) target(%arg8 : memref<80x128xf32, #tpu.memory_space<vmem>>) target_semaphore(%arg13 : memref<!tpu.dma_semaphore, #tpu.memory_space<semaphore_mem>>)
    } else {
    }
    %scan3A = arith.constant 0 : i32
    %scan3A_21 = arith.constant 0 : i32
    %scan3A_22 = arith.constant 62 : i32
    %scan3A_23 = arith.addi %scan3A_21, %scan3A_22 : i32
    %scan3A_24 = arith.constant 1 : i32
    scf.for %scan3A_76 = %scan3A_21 to %scan3A_23 step %scan3A_24  : i32 {
      %mul3A_77 = arith.constant 2 : i32
      %mul3A_78 = arith.muli %scan3A_76, %mul3A_77 : i32
      %add3A_79 = arith.constant 0 : i32
      %add3A_80 = arith.addi %mul3A_78, %add3A_79 : i32
      %dma_wait3A_81 = arith.constant 0 : i32
      %dma_wait3A_82 = tpu.memref_slice %arg4[%dma_wait3A_81] : memref<160000xi32, #tpu.memory_space<hbm>> -> memref<80xi32, #tpu.memory_space<hbm>>
      %dma_wait3A_83 = arith.constant 0 : i32
      %dma_wait3A_84 = tpu.memref_slice %arg4[%dma_wait3A_83] : memref<160000xi32, #tpu.memory_space<hbm>> -> memref<80xi32, #tpu.memory_space<hbm>>
      tpu.wait_dma2 semaphore(%arg13 : memref<!tpu.dma_semaphore, #tpu.memory_space<semaphore_mem>>) src(%dma_wait3A_84 : memref<80xi32, #tpu.memory_space<hbm>>) dst(%arg10 : memref<80xi32, #tpu.memory_space<vmem>>)
      %dma_wait3A_85 = arith.constant 0 : i32
      %dma_wait3A_86 = arith.constant 0 : i32
      %dma_wait3A_87 = tpu.memref_slice %arg2[%dma_wait3A_85, %dma_wait3A_86] : memref<160000x128xf32, #tpu.memory_space<hbm>> -> memref<80x128xf32, #tpu.memory_space<hbm>>
      %dma_wait3A_88 = arith.constant 0 : i32
      %dma_wait3A_89 = arith.constant 0 : i32
      %dma_wait3A_90 = tpu.memref_slice %arg2[%dma_wait3A_88, %dma_wait3A_89] : memref<160000x128xf32, #tpu.memory_space<hbm>> -> memref<80x128xf32, #tpu.memory_space<hbm>>
      tpu.wait_dma2 semaphore(%arg13 : memref<!tpu.dma_semaphore, #tpu.memory_space<semaphore_mem>>) src(%dma_wait3A_90 : memref<80x128xf32, #tpu.memory_space<hbm>>) dst(%arg8 : memref<80x128xf32, #tpu.memory_space<vmem>>)
      %dma_start3A_91 = arith.constant 0 : i32
      %dma_start3A_92 = arith.constant 0 : i32
      %dma_start3A_93 = tpu.memref_slice %arg12[%dma_start3A_91, %dma_start3A_92] : memref<10000x128xf32, #tpu.memory_space<vmem_shared>> -> memref<10000x128xf32, #tpu.memory_space<vmem_shared>>
      tpu.enqueue_indirect_dma source(%arg8 : memref<80x128xf32, #tpu.memory_space<vmem>>) target(%dma_start3A_93 : memref<10000x128xf32, #tpu.memory_space<vmem_shared>>) offsets(%arg10 : memref<80xi32, #tpu.memory_space<vmem>>) semaphore(%arg15 : memref<!tpu.dma_semaphore, #tpu.memory_space<semaphore_mem>>) {add = true}
      %add3A_94 = arith.constant 1 : i32
      %add3A_95 = arith.addi %add3A_80, %add3A_94 : i32
      %lt3A_96 = arith.constant 125 : i32
      %lt3A_97 = arith.cmpi slt, %add3A_95, %lt3A_96 : i32
      %convert_element_type3A_98 = arith.extui %lt3A_97 : i1 to i32
      %cond3A_99 = arith.constant 0 : i32
      %cond3A_100 = arith.cmpi ne, %convert_element_type3A_98, %cond3A_99 : i32
      scf.if %cond3A_100 {
        %ge3A = arith.constant 1 : i32
        %ge3A_125 = arith.cmpi sge, %add3A_80, %ge3A : i32
        %convert_element_type3A_126 = arith.extui %ge3A_125 : i1 to i32
        %cond3A_127 = arith.constant 0 : i32
        %cond3A_128 = arith.cmpi ne, %convert_element_type3A_126, %cond3A_127 : i32
        scf.if %cond3A_128 {
          %dma_wait3A_146 = arith.constant 0 : i32
          %dma_wait3A_147 = arith.constant 0 : i32
          %dma_wait3A_148 = tpu.memref_slice %arg12[%dma_wait3A_146, %dma_wait3A_147] : memref<10000x128xf32, #tpu.memory_space<vmem_shared>> -> memref<10000x128xf32, #tpu.memory_space<vmem_shared>>
          tpu.wait_indirect_dma semaphore(%arg16 : memref<!tpu.dma_semaphore, #tpu.memory_space<semaphore_mem>>) src(%arg9 : memref<80x128xf32, #tpu.memory_space<vmem>>) dst(%dma_wait3A_148 : memref<10000x128xf32, #tpu.memory_space<vmem_shared>>)
        } else {
        }
        %add3A_129 = arith.constant 1 : i32
        %add3A_130 = arith.addi %add3A_80, %add3A_129 : i32
        %mul3A_131 = arith.constant 80 : i32
        %mul3A_132 = arith.muli %add3A_130, %mul3A_131 : i32
        %add3A_133 = arith.addi %mul3A_8, %mul3A_132 : i32
        %dma_start3A_134 = tpu.memref_slice %arg4[%add3A_133] : memref<160000xi32, #tpu.memory_space<hbm>> -> memref<80xi32, #tpu.memory_space<hbm>>
        %dma_start3A_135 = tpu.memref_slice %arg4[%add3A_133] : memref<160000xi32, #tpu.memory_space<hbm>> -> memref<80xi32, #tpu.memory_space<hbm>>
        tpu.enqueue_dma source(%dma_start3A_135 : memref<80xi32, #tpu.memory_space<hbm>>) target(%arg11 : memref<80xi32, #tpu.memory_space<vmem>>) target_semaphore(%arg14 : memref<!tpu.dma_semaphore, #tpu.memory_space<semaphore_mem>>)
        %eq3A_136 = arith.constant 0 : i32
        %eq3A_137 = arith.cmpi eq, %arg0, %eq3A_136 : i32
        %convert_element_type3A_138 = arith.extui %eq3A_137 : i1 to i32
        %cond3A_139 = arith.constant 0 : i32
        %cond3A_140 = arith.cmpi ne, %convert_element_type3A_138, %cond3A_139 : i32
        scf.if %cond3A_140 {
          %dma_start3A_146 = arith.constant 0 : i32
          %dma_start3A_147 = tpu.memref_slice %arg2[%add3A_133, %dma_start3A_146] : memref<160000x128xf32, #tpu.memory_space<hbm>> -> memref<80x128xf32, #tpu.memory_space<hbm>>
          %dma_start3A_148 = arith.constant 0 : i32
          %dma_start3A_149 = tpu.memref_slice %arg2[%add3A_133, %dma_start3A_148] : memref<160000x128xf32, #tpu.memory_space<hbm>> -> memref<80x128xf32, #tpu.memory_space<hbm>>
          tpu.enqueue_dma source(%dma_start3A_149 : memref<80x128xf32, #tpu.memory_space<hbm>>) target(%arg9 : memref<80x128xf32, #tpu.memory_space<vmem>>) target_semaphore(%arg14 : memref<!tpu.dma_semaphore, #tpu.memory_space<semaphore_mem>>)
        } else {
        }
        %eq3A_141 = arith.constant 1 : i32
        %eq3A_142 = arith.cmpi eq, %arg0, %eq3A_141 : i32
        %convert_element_type3A_143 = arith.extui %eq3A_142 : i1 to i32
        %cond3A_144 = arith.constant 0 : i32
        %cond3A_145 = arith.cmpi ne, %convert_element_type3A_143, %cond3A_144 : i32
        scf.if %cond3A_145 {
          %dma_start3A_146 = arith.constant 0 : i32
          %dma_start3A_147 = tpu.memref_slice %arg3[%add3A_133, %dma_start3A_146] : memref<160000x128xf32, #tpu.memory_space<hbm>> -> memref<80x128xf32, #tpu.memory_space<hbm>>
          %dma_start3A_148 = arith.constant 0 : i32
          %dma_start3A_149 = tpu.memref_slice %arg3[%add3A_133, %dma_start3A_148] : memref<160000x128xf32, #tpu.memory_space<hbm>> -> memref<80x128xf32, #tpu.memory_space<hbm>>
          tpu.enqueue_dma source(%dma_start3A_149 : memref<80x128xf32, #tpu.memory_space<hbm>>) target(%arg9 : memref<80x128xf32, #tpu.memory_space<vmem>>) target_semaphore(%arg14 : memref<!tpu.dma_semaphore, #tpu.memory_space<semaphore_mem>>)
        } else {
        }
      } else {
      }
      %mul3A_101 = arith.constant 2 : i32
      %mul3A_102 = arith.muli %scan3A_76, %mul3A_101 : i32
      %add3A_103 = arith.constant 1 : i32
      %add3A_104 = arith.addi %mul3A_102, %add3A_103 : i32
      %dma_wait3A_105 = arith.constant 0 : i32
      %dma_wait3A_106 = tpu.memref_slice %arg4[%dma_wait3A_105] : memref<160000xi32, #tpu.memory_space<hbm>> -> memref<80xi32, #tpu.memory_space<hbm>>
      %dma_wait3A_107 = arith.constant 0 : i32
      %dma_wait3A_108 = tpu.memref_slice %arg4[%dma_wait3A_107] : memref<160000xi32, #tpu.memory_space<hbm>> -> memref<80xi32, #tpu.memory_space<hbm>>
      tpu.wait_dma2 semaphore(%arg14 : memref<!tpu.dma_semaphore, #tpu.memory_space<semaphore_mem>>) src(%dma_wait3A_108 : memref<80xi32, #tpu.memory_space<hbm>>) dst(%arg11 : memref<80xi32, #tpu.memory_space<vmem>>)
      %dma_wait3A_109 = arith.constant 0 : i32
      %dma_wait3A_110 = arith.constant 0 : i32
      %dma_wait3A_111 = tpu.memref_slice %arg2[%dma_wait3A_109, %dma_wait3A_110] : memref<160000x128xf32, #tpu.memory_space<hbm>> -> memref<80x128xf32, #tpu.memory_space<hbm>>
      %dma_wait3A_112 = arith.constant 0 : i32
      %dma_wait3A_113 = arith.constant 0 : i32
      %dma_wait3A_114 = tpu.memref_slice %arg2[%dma_wait3A_112, %dma_wait3A_113] : memref<160000x128xf32, #tpu.memory_space<hbm>> -> memref<80x128xf32, #tpu.memory_space<hbm>>
      tpu.wait_dma2 semaphore(%arg14 : memref<!tpu.dma_semaphore, #tpu.memory_space<semaphore_mem>>) src(%dma_wait3A_114 : memref<80x128xf32, #tpu.memory_space<hbm>>) dst(%arg9 : memref<80x128xf32, #tpu.memory_space<vmem>>)
      %dma_start3A_115 = arith.constant 0 : i32
      %dma_start3A_116 = arith.constant 0 : i32
      %dma_start3A_117 = tpu.memref_slice %arg12[%dma_start3A_115, %dma_start3A_116] : memref<10000x128xf32, #tpu.memory_space<vmem_shared>> -> memref<10000x128xf32, #tpu.memory_space<vmem_shared>>
      tpu.enqueue_indirect_dma source(%arg9 : memref<80x128xf32, #tpu.memory_space<vmem>>) target(%dma_start3A_117 : memref<10000x128xf32, #tpu.memory_space<vmem_shared>>) offsets(%arg11 : memref<80xi32, #tpu.memory_space<vmem>>) semaphore(%arg16 : memref<!tpu.dma_semaphore, #tpu.memory_space<semaphore_mem>>) {add = true}
      %add3A_118 = arith.constant 1 : i32
      %add3A_119 = arith.addi %add3A_104, %add3A_118 : i32
      %lt3A_120 = arith.constant 125 : i32
      %lt3A_121 = arith.cmpi slt, %add3A_119, %lt3A_120 : i32
      %convert_element_type3A_122 = arith.extui %lt3A_121 : i1 to i32
      %cond3A_123 = arith.constant 0 : i32
      %cond3A_124 = arith.cmpi ne, %convert_element_type3A_122, %cond3A_123 : i32
      scf.if %cond3A_124 {
        %ge3A = arith.constant 1 : i32
        %ge3A_125 = arith.cmpi sge, %add3A_104, %ge3A : i32
        %convert_element_type3A_126 = arith.extui %ge3A_125 : i1 to i32
        %cond3A_127 = arith.constant 0 : i32
        %cond3A_128 = arith.cmpi ne, %convert_element_type3A_126, %cond3A_127 : i32
        scf.if %cond3A_128 {
          %dma_wait3A_146 = arith.constant 0 : i32
          %dma_wait3A_147 = arith.constant 0 : i32
          %dma_wait3A_148 = tpu.memref_slice %arg12[%dma_wait3A_146, %dma_wait3A_147] : memref<10000x128xf32, #tpu.memory_space<vmem_shared>> -> memref<10000x128xf32, #tpu.memory_space<vmem_shared>>
          tpu.wait_indirect_dma semaphore(%arg15 : memref<!tpu.dma_semaphore, #tpu.memory_space<semaphore_mem>>) src(%arg8 : memref<80x128xf32, #tpu.memory_space<vmem>>) dst(%dma_wait3A_148 : memref<10000x128xf32, #tpu.memory_space<vmem_shared>>)
        } else {
        }
        %add3A_129 = arith.constant 1 : i32
        %add3A_130 = arith.addi %add3A_104, %add3A_129 : i32
        %mul3A_131 = arith.constant 80 : i32
        %mul3A_132 = arith.muli %add3A_130, %mul3A_131 : i32
        %add3A_133 = arith.addi %mul3A_8, %mul3A_132 : i32
        %dma_start3A_134 = tpu.memref_slice %arg4[%add3A_133] : memref<160000xi32, #tpu.memory_space<hbm>> -> memref<80xi32, #tpu.memory_space<hbm>>
        %dma_start3A_135 = tpu.memref_slice %arg4[%add3A_133] : memref<160000xi32, #tpu.memory_space<hbm>> -> memref<80xi32, #tpu.memory_space<hbm>>
        tpu.enqueue_dma source(%dma_start3A_135 : memref<80xi32, #tpu.memory_space<hbm>>) target(%arg10 : memref<80xi32, #tpu.memory_space<vmem>>) target_semaphore(%arg13 : memref<!tpu.dma_semaphore, #tpu.memory_space<semaphore_mem>>)
        %eq3A_136 = arith.constant 0 : i32
        %eq3A_137 = arith.cmpi eq, %arg0, %eq3A_136 : i32
        %convert_element_type3A_138 = arith.extui %eq3A_137 : i1 to i32
        %cond3A_139 = arith.constant 0 : i32
        %cond3A_140 = arith.cmpi ne, %convert_element_type3A_138, %cond3A_139 : i32
        scf.if %cond3A_140 {
          %dma_start3A_146 = arith.constant 0 : i32
          %dma_start3A_147 = tpu.memref_slice %arg2[%add3A_133, %dma_start3A_146] : memref<160000x128xf32, #tpu.memory_space<hbm>> -> memref<80x128xf32, #tpu.memory_space<hbm>>
          %dma_start3A_148 = arith.constant 0 : i32
          %dma_start3A_149 = tpu.memref_slice %arg2[%add3A_133, %dma_start3A_148] : memref<160000x128xf32, #tpu.memory_space<hbm>> -> memref<80x128xf32, #tpu.memory_space<hbm>>
          tpu.enqueue_dma source(%dma_start3A_149 : memref<80x128xf32, #tpu.memory_space<hbm>>) target(%arg8 : memref<80x128xf32, #tpu.memory_space<vmem>>) target_semaphore(%arg13 : memref<!tpu.dma_semaphore, #tpu.memory_space<semaphore_mem>>)
        } else {
        }
        %eq3A_141 = arith.constant 1 : i32
        %eq3A_142 = arith.cmpi eq, %arg0, %eq3A_141 : i32
        %convert_element_type3A_143 = arith.extui %eq3A_142 : i1 to i32
        %cond3A_144 = arith.constant 0 : i32
        %cond3A_145 = arith.cmpi ne, %convert_element_type3A_143, %cond3A_144 : i32
        scf.if %cond3A_145 {
          %dma_start3A_146 = arith.constant 0 : i32
          %dma_start3A_147 = tpu.memref_slice %arg3[%add3A_133, %dma_start3A_146] : memref<160000x128xf32, #tpu.memory_space<hbm>> -> memref<80x128xf32, #tpu.memory_space<hbm>>
          %dma_start3A_148 = arith.constant 0 : i32
          %dma_start3A_149 = tpu.memref_slice %arg3[%add3A_133, %dma_start3A_148] : memref<160000x128xf32, #tpu.memory_space<hbm>> -> memref<80x128xf32, #tpu.memory_space<hbm>>
          tpu.enqueue_dma source(%dma_start3A_149 : memref<80x128xf32, #tpu.memory_space<hbm>>) target(%arg8 : memref<80x128xf32, #tpu.memory_space<vmem>>) target_semaphore(%arg13 : memref<!tpu.dma_semaphore, #tpu.memory_space<semaphore_mem>>)
        } else {
        }
      } else {
      }
    }
    %scan3A_25 = arith.constant 62 : i32
    %dma_wait3A = arith.constant 0 : i32
    %dma_wait3A_26 = tpu.memref_slice %arg4[%dma_wait3A] : memref<160000xi32, #tpu.memory_space<hbm>> -> memref<80xi32, #tpu.memory_space<hbm>>
    %dma_wait3A_27 = arith.constant 0 : i32
    %dma_wait3A_28 = tpu.memref_slice %arg4[%dma_wait3A_27] : memref<160000xi32, #tpu.memory_space<hbm>> -> memref<80xi32, #tpu.memory_space<hbm>>
    tpu.wait_dma2 semaphore(%arg13 : memref<!tpu.dma_semaphore, #tpu.memory_space<semaphore_mem>>) src(%dma_wait3A_28 : memref<80xi32, #tpu.memory_space<hbm>>) dst(%arg10 : memref<80xi32, #tpu.memory_space<vmem>>)
    %dma_wait3A_29 = arith.constant 0 : i32
    %dma_wait3A_30 = arith.constant 0 : i32
    %dma_wait3A_31 = tpu.memref_slice %arg2[%dma_wait3A_29, %dma_wait3A_30] : memref<160000x128xf32, #tpu.memory_space<hbm>> -> memref<80x128xf32, #tpu.memory_space<hbm>>
    %dma_wait3A_32 = arith.constant 0 : i32
    %dma_wait3A_33 = arith.constant 0 : i32
    %dma_wait3A_34 = tpu.memref_slice %arg2[%dma_wait3A_32, %dma_wait3A_33] : memref<160000x128xf32, #tpu.memory_space<hbm>> -> memref<80x128xf32, #tpu.memory_space<hbm>>
    tpu.wait_dma2 semaphore(%arg13 : memref<!tpu.dma_semaphore, #tpu.memory_space<semaphore_mem>>) src(%dma_wait3A_34 : memref<80x128xf32, #tpu.memory_space<hbm>>) dst(%arg8 : memref<80x128xf32, #tpu.memory_space<vmem>>)
    %dma_start3A_35 = arith.constant 0 : i32
    %dma_start3A_36 = arith.constant 0 : i32
    %dma_start3A_37 = tpu.memref_slice %arg12[%dma_start3A_35, %dma_start3A_36] : memref<10000x128xf32, #tpu.memory_space<vmem_shared>> -> memref<10000x128xf32, #tpu.memory_space<vmem_shared>>
    tpu.enqueue_indirect_dma source(%arg8 : memref<80x128xf32, #tpu.memory_space<vmem>>) target(%dma_start3A_37 : memref<10000x128xf32, #tpu.memory_space<vmem_shared>>) offsets(%arg10 : memref<80xi32, #tpu.memory_space<vmem>>) semaphore(%arg15 : memref<!tpu.dma_semaphore, #tpu.memory_space<semaphore_mem>>) {add = true}
    %dma_wait3A_38 = arith.constant 0 : i32
    %dma_wait3A_39 = arith.constant 0 : i32
    %dma_wait3A_40 = tpu.memref_slice %arg12[%dma_wait3A_38, %dma_wait3A_39] : memref<10000x128xf32, #tpu.memory_space<vmem_shared>> -> memref<10000x128xf32, #tpu.memory_space<vmem_shared>>
    tpu.wait_indirect_dma semaphore(%arg16 : memref<!tpu.dma_semaphore, #tpu.memory_space<semaphore_mem>>) src(%arg9 : memref<80x128xf32, #tpu.memory_space<vmem>>) dst(%dma_wait3A_40 : memref<10000x128xf32, #tpu.memory_space<vmem_shared>>)
    %dma_wait3A_41 = arith.constant 0 : i32
    %dma_wait3A_42 = arith.constant 0 : i32
    %dma_wait3A_43 = tpu.memref_slice %arg12[%dma_wait3A_41, %dma_wait3A_42] : memref<10000x128xf32, #tpu.memory_space<vmem_shared>> -> memref<10000x128xf32, #tpu.memory_space<vmem_shared>>
    tpu.wait_indirect_dma semaphore(%arg15 : memref<!tpu.dma_semaphore, #tpu.memory_space<semaphore_mem>>) src(%arg8 : memref<80x128xf32, #tpu.memory_space<vmem>>) dst(%dma_wait3A_43 : memref<10000x128xf32, #tpu.memory_space<vmem_shared>>)
    %barrier3A_44 = arith.constant 0 : index
    tpu.barrier barrier_id(%barrier3A_44)
    %eq3A_45 = arith.constant 0 : i32
    %eq3A_46 = arith.cmpi eq, %arg0, %eq3A_45 : i32
    %lt3A_47 = arith.constant 15 : i32
    %lt3A_48 = arith.cmpi slt, %arg1, %lt3A_47 : i32
    %and3A = arith.andi %eq3A_46, %lt3A_48 : i1
    %convert_element_type3A_49 = arith.extui %and3A : i1 to i32
    %cond3A_50 = arith.constant 0 : i32
    %cond3A_51 = arith.cmpi ne, %convert_element_type3A_49, %cond3A_50 : i32
    scf.if %cond3A_51 {
      "tpu.region"() ({
        %run_scoped3A = tpu.sem_alloc : memref<!tpu.dma_semaphore, #tpu.memory_space<semaphore_mem>>
        %dma_start3A_76 = arith.constant 0 : i32
        %dma_start3A_77 = tpu.memref_slice %arg6[%mul3A_0, %dma_start3A_76] : memref<10000x128xf32, #tpu.memory_space<hbm>> -> memref<640x128xf32, #tpu.memory_space<hbm>>
        %dma_start3A_78 = arith.constant 0 : i32
        %dma_start3A_79 = tpu.memref_slice %arg12[%mul3A_0, %dma_start3A_78] : memref<10000x128xf32, #tpu.memory_space<vmem_shared>> -> memref<640x128xf32, #tpu.memory_space<vmem_shared>>
        tpu.enqueue_dma source(%dma_start3A_79 : memref<640x128xf32, #tpu.memory_space<vmem_shared>>) target(%dma_start3A_77 : memref<640x128xf32, #tpu.memory_space<hbm>>) target_semaphore(%run_scoped3A : memref<!tpu.dma_semaphore, #tpu.memory_space<semaphore_mem>>)
        %dma_wait3A_80 = arith.constant 0 : i32
        %dma_wait3A_81 = tpu.memref_slice %arg6[%mul3A_0, %dma_wait3A_80] : memref<10000x128xf32, #tpu.memory_space<hbm>> -> memref<640x128xf32, #tpu.memory_space<hbm>>
        %dma_wait3A_82 = arith.constant 0 : i32
        %dma_wait3A_83 = tpu.memref_slice %arg12[%mul3A_0, %dma_wait3A_82] : memref<10000x128xf32, #tpu.memory_space<vmem_shared>> -> memref<640x128xf32, #tpu.memory_space<vmem_shared>>
        tpu.wait_dma2 semaphore(%run_scoped3A : memref<!tpu.dma_semaphore, #tpu.memory_space<semaphore_mem>>) src(%dma_wait3A_83 : memref<640x128xf32, #tpu.memory_space<vmem_shared>>) dst(%dma_wait3A_81 : memref<640x128xf32, #tpu.memory_space<hbm>>)
        tpu.yield
      }) : () -> ()
    } else {
    }
    %eq3A_52 = arith.constant 0 : i32
    %eq3A_53 = arith.cmpi eq, %arg0, %eq3A_52 : i32
    %eq3A_54 = arith.constant 15 : i32
    %eq3A_55 = arith.cmpi eq, %arg1, %eq3A_54 : i32
    %and3A_56 = arith.andi %eq3A_53, %eq3A_55 : i1
    %convert_element_type3A_57 = arith.extui %and3A_56 : i1 to i32
    %cond3A_58 = arith.constant 0 : i32
    %cond3A_59 = arith.cmpi ne, %convert_element_type3A_57, %cond3A_58 : i32
    scf.if %cond3A_59 {
      "tpu.region"() ({
        %run_scoped3A = tpu.sem_alloc : memref<!tpu.dma_semaphore, #tpu.memory_space<semaphore_mem>>
        %dma_start3A_76 = arith.constant 0 : i32
        %dma_start3A_77 = tpu.memref_slice %arg6[%mul3A_0, %dma_start3A_76] : memref<10000x128xf32, #tpu.memory_space<hbm>> -> memref<400x128xf32, #tpu.memory_space<hbm>>
        %dma_start3A_78 = arith.constant 0 : i32
        %dma_start3A_79 = tpu.memref_slice %arg12[%mul3A_0, %dma_start3A_78] : memref<10000x128xf32, #tpu.memory_space<vmem_shared>> -> memref<400x128xf32, #tpu.memory_space<vmem_shared>>
        tpu.enqueue_dma source(%dma_start3A_79 : memref<400x128xf32, #tpu.memory_space<vmem_shared>>) target(%dma_start3A_77 : memref<400x128xf32, #tpu.memory_space<hbm>>) target_semaphore(%run_scoped3A : memref<!tpu.dma_semaphore, #tpu.memory_space<semaphore_mem>>)
        %dma_wait3A_80 = arith.constant 0 : i32
        %dma_wait3A_81 = tpu.memref_slice %arg6[%mul3A_0, %dma_wait3A_80] : memref<10000x128xf32, #tpu.memory_space<hbm>> -> memref<400x128xf32, #tpu.memory_space<hbm>>
        %dma_wait3A_82 = arith.constant 0 : i32
        %dma_wait3A_83 = tpu.memref_slice %arg12[%mul3A_0, %dma_wait3A_82] : memref<10000x128xf32, #tpu.memory_space<vmem_shared>> -> memref<400x128xf32, #tpu.memory_space<vmem_shared>>
        tpu.wait_dma2 semaphore(%run_scoped3A : memref<!tpu.dma_semaphore, #tpu.memory_space<semaphore_mem>>) src(%dma_wait3A_83 : memref<400x128xf32, #tpu.memory_space<vmem_shared>>) dst(%dma_wait3A_81 : memref<400x128xf32, #tpu.memory_space<hbm>>)
        tpu.yield
      }) : () -> ()
    } else {
    }
    %eq3A_60 = arith.constant 1 : i32
    %eq3A_61 = arith.cmpi eq, %arg0, %eq3A_60 : i32
    %lt3A_62 = arith.constant 15 : i32
    %lt3A_63 = arith.cmpi slt, %arg1, %lt3A_62 : i32
    %and3A_64 = arith.andi %eq3A_61, %lt3A_63 : i1
    %convert_element_type3A_65 = arith.extui %and3A_64 : i1 to i32
    %cond3A_66 = arith.constant 0 : i32
    %cond3A_67 = arith.cmpi ne, %convert_element_type3A_65, %cond3A_66 : i32
    scf.if %cond3A_67 {
      "tpu.region"() ({
        %run_scoped3A = tpu.sem_alloc : memref<!tpu.dma_semaphore, #tpu.memory_space<semaphore_mem>>
        %dma_start3A_76 = arith.constant 0 : i32
        %dma_start3A_77 = tpu.memref_slice %arg7[%mul3A_0, %dma_start3A_76] : memref<10000x128xf32, #tpu.memory_space<hbm>> -> memref<640x128xf32, #tpu.memory_space<hbm>>
        %dma_start3A_78 = arith.constant 0 : i32
        %dma_start3A_79 = tpu.memref_slice %arg12[%mul3A_0, %dma_start3A_78] : memref<10000x128xf32, #tpu.memory_space<vmem_shared>> -> memref<640x128xf32, #tpu.memory_space<vmem_shared>>
        tpu.enqueue_dma source(%dma_start3A_79 : memref<640x128xf32, #tpu.memory_space<vmem_shared>>) target(%dma_start3A_77 : memref<640x128xf32, #tpu.memory_space<hbm>>) target_semaphore(%run_scoped3A : memref<!tpu.dma_semaphore, #tpu.memory_space<semaphore_mem>>)
        %dma_wait3A_80 = arith.constant 0 : i32
        %dma_wait3A_81 = tpu.memref_slice %arg7[%mul3A_0, %dma_wait3A_80] : memref<10000x128xf32, #tpu.memory_space<hbm>> -> memref<640x128xf32, #tpu.memory_space<hbm>>
        %dma_wait3A_82 = arith.constant 0 : i32
        %dma_wait3A_83 = tpu.memref_slice %arg12[%mul3A_0, %dma_wait3A_82] : memref<10000x128xf32, #tpu.memory_space<vmem_shared>> -> memref<640x128xf32, #tpu.memory_space<vmem_shared>>
        tpu.wait_dma2 semaphore(%run_scoped3A : memref<!tpu.dma_semaphore, #tpu.memory_space<semaphore_mem>>) src(%dma_wait3A_83 : memref<640x128xf32, #tpu.memory_space<vmem_shared>>) dst(%dma_wait3A_81 : memref<640x128xf32, #tpu.memory_space<hbm>>)
        tpu.yield
      }) : () -> ()
    } else {
    }
    %eq3A_68 = arith.constant 1 : i32
    %eq3A_69 = arith.cmpi eq, %arg0, %eq3A_68 : i32
    %eq3A_70 = arith.constant 15 : i32
    %eq3A_71 = arith.cmpi eq, %arg1, %eq3A_70 : i32
    %and3A_72 = arith.andi %eq3A_69, %eq3A_71 : i1
    %convert_element_type3A_73 = arith.extui %and3A_72 : i1 to i32
    %cond3A_74 = arith.constant 0 : i32
    %cond3A_75 = arith.cmpi ne, %convert_element_type3A_73, %cond3A_74 : i32
    scf.if %cond3A_75 {
      "tpu.region"() ({
        %run_scoped3A = tpu.sem_alloc : memref<!tpu.dma_semaphore, #tpu.memory_space<semaphore_mem>>
        %dma_start3A_76 = arith.constant 0 : i32
        %dma_start3A_77 = tpu.memref_slice %arg7[%mul3A_0, %dma_start3A_76] : memref<10000x128xf32, #tpu.memory_space<hbm>> -> memref<400x128xf32, #tpu.memory_space<hbm>>
        %dma_start3A_78 = arith.constant 0 : i32
        %dma_start3A_79 = tpu.memref_slice %arg12[%mul3A_0, %dma_start3A_78] : memref<10000x128xf32, #tpu.memory_space<vmem_shared>> -> memref<400x128xf32, #tpu.memory_space<vmem_shared>>
        tpu.enqueue_dma source(%dma_start3A_79 : memref<400x128xf32, #tpu.memory_space<vmem_shared>>) target(%dma_start3A_77 : memref<400x128xf32, #tpu.memory_space<hbm>>) target_semaphore(%run_scoped3A : memref<!tpu.dma_semaphore, #tpu.memory_space<semaphore_mem>>)
        %dma_wait3A_80 = arith.constant 0 : i32
        %dma_wait3A_81 = tpu.memref_slice %arg7[%mul3A_0, %dma_wait3A_80] : memref<10000x128xf32, #tpu.memory_space<hbm>> -> memref<400x128xf32, #tpu.memory_space<hbm>>
        %dma_wait3A_82 = arith.constant 0 : i32
        %dma_wait3A_83 = tpu.memref_slice %arg12[%mul3A_0, %dma_wait3A_82] : memref<10000x128xf32, #tpu.memory_space<vmem_shared>> -> memref<400x128xf32, #tpu.memory_space<vmem_shared>>
        tpu.wait_dma2 semaphore(%run_scoped3A : memref<!tpu.dma_semaphore, #tpu.memory_space<semaphore_mem>>) src(%dma_wait3A_83 : memref<400x128xf32, #tpu.memory_space<vmem_shared>>) dst(%dma_wait3A_81 : memref<400x128xf32, #tpu.memory_space<hbm>>)
        tpu.yield
      }) : () -> ()
    } else {
    }
    return
  }
}

module attributes {stable_mosaic.version = 14 : i64} {
  func.func @_edge_mlp_body(%arg0: i32, %arg1: memref<8000x1xf32, #tpu.memory_space<vmem>>, %arg2: memref<32x256xbf16, #tpu.memory_space<vmem>>, %arg3: memref<1x256xf32, #tpu.memory_space<vmem>>, %arg4: memref<256x256xbf16, #tpu.memory_space<vmem>>, %arg5: memref<1x256xf32, #tpu.memory_space<vmem>>, %arg6: memref<8000x128xf32, #tpu.memory_space<vmem>>, %arg7: memref<8000x128xf32, #tpu.memory_space<vmem>>) attributes {dimension_semantics = [#tpu.dimension_semantics<arbitrary>], iteration_bounds = array<i64: 20>, scalar_prefetch = 0 : i64, scratch_operands = 0 : i64, tpu.core_type = #tpu.core_type<tc>, window_params = [{transform_indices = @transform_0, window_bounds = array<i64: 8000, 1>}, {pipeline_mode = #tpu.pipeline_mode<synchronous>, transform_indices = @transform_1, window_bounds = array<i64: 32, 256>}, {pipeline_mode = #tpu.pipeline_mode<synchronous>, transform_indices = @transform_2, window_bounds = array<i64: 1, 256>}, {pipeline_mode = #tpu.pipeline_mode<synchronous>, transform_indices = @transform_3, window_bounds = array<i64: 256, 256>}, {pipeline_mode = #tpu.pipeline_mode<synchronous>, transform_indices = @transform_4, window_bounds = array<i64: 1, 256>}, {transform_indices = @transform_5, window_bounds = array<i64: 8000, 128>}, {transform_indices = @transform_6, window_bounds = array<i64: 8000, 128>}]} {
    %get3A = arith.constant 0 : index
    %get3A_0 = arith.constant 0 : index
    %get3A_1 = vector.load %arg1[%get3A, %get3A_0] : memref<8000x1xf32, #tpu.memory_space<vmem>>, vector<8000x1xf32>
    %iota3A = tpu.iota {dimensions = array<i32: 1>} : vector<8000x32xi32>
    %convert_element_type3A = arith.sitofp %iota3A : vector<8000x32xi32> to vector<8000x32xf32>
    %mul3A = arith.constant 0.161290318 : f32
    %mul3A_2 = vector.broadcast %mul3A : f32 to vector<8000x32xf32>
    %mul3A_3 = arith.mulf %convert_element_type3A, %mul3A_2 : vector<8000x32xf32>
    %sub3A = vector.broadcast %get3A_1 : vector<8000x1xf32> to vector<8000x32xf32>
    %sub3A_4 = arith.subf %sub3A, %mul3A_3 : vector<8000x32xf32>
    %integer_pow3A = arith.mulf %sub3A_4, %sub3A_4 : vector<8000x32xf32>
    %neg3A = arith.constant 0.000000e+00 : f32
    %neg3A_5 = vector.broadcast %neg3A : f32 to vector<8000x32xf32>
    %neg3A_6 = arith.subf %neg3A_5, %integer_pow3A : vector<8000x32xf32>
    %mul3A_7 = arith.constant 5.000000e+00 : f32
    %mul3A_8 = vector.broadcast %mul3A_7 : f32 to vector<8000x32xf32>
    %mul3A_9 = arith.mulf %neg3A_6, %mul3A_8 : vector<8000x32xf32>
    %exp3A = math.exp %mul3A_9 : vector<8000x32xf32>
    %convert_element_type3A_10 = arith.truncf %exp3A : vector<8000x32xf32> to vector<8000x32xbf16>
    %get3A_11 = arith.constant 0 : index
    %get3A_12 = arith.constant 0 : index
    %get3A_13 = vector.load %arg2[%get3A_11, %get3A_12] : memref<32x256xbf16, #tpu.memory_space<vmem>>, vector<32x256xbf16>
    %dot_general3A = arith.constant dense<0.000000e+00> : vector<8000x256xf32>
    %dot_general3A_14 = tpu.matmul %convert_element_type3A_10, %get3A_13, %dot_general3A {dimension_numbers = #tpu.dot_dimension_numbers<[1], [0], [0], [1], [0, 0, 1, 1], [], []>, transpose_lhs_hint = false} : vector<8000x32xbf16>, vector<32x256xbf16>, vector<8000x256xf32> -> vector<8000x256xf32>
    %get3A_15 = arith.constant 0 : index
    %get3A_16 = arith.constant 0 : index
    %get3A_17 = vector.load %arg3[%get3A_15, %get3A_16] : memref<1x256xf32, #tpu.memory_space<vmem>>, vector<1x256xf32>
    %add3A = vector.broadcast %get3A_17 : vector<1x256xf32> to vector<8000x256xf32>
    %add3A_18 = arith.addf %dot_general3A_14, %add3A : vector<8000x256xf32>
    %logistic3A = arith.negf %add3A_18 : vector<8000x256xf32>
    %logistic3A_19 = math.exp %logistic3A : vector<8000x256xf32>
    %logistic3A_20 = arith.constant 1.000000e+00 : f32
    %logistic3A_21 = vector.broadcast %logistic3A_20 : f32 to vector<8000x256xf32>
    %logistic3A_22 = arith.addf %logistic3A_21, %logistic3A_19 : vector<8000x256xf32>
    %logistic3A_23 = arith.divf %logistic3A_21, %logistic3A_22 : vector<8000x256xf32>
    %mul3A_24 = arith.mulf %add3A_18, %logistic3A_23 : vector<8000x256xf32>
    %convert_element_type3A_25 = arith.truncf %mul3A_24 : vector<8000x256xf32> to vector<8000x256xbf16>
    %get3A_26 = arith.constant 0 : index
    %get3A_27 = arith.constant 0 : index
    %get3A_28 = vector.load %arg4[%get3A_26, %get3A_27] : memref<256x256xbf16, #tpu.memory_space<vmem>>, vector<256x256xbf16>
    %dot_general3A_29 = arith.constant dense<0.000000e+00> : vector<8000x256xf32>
    %dot_general3A_30 = tpu.matmul %convert_element_type3A_25, %get3A_28, %dot_general3A_29 {dimension_numbers = #tpu.dot_dimension_numbers<[1], [0], [0], [1], [0, 0, 1, 1], [], []>, transpose_lhs_hint = false} : vector<8000x256xbf16>, vector<256x256xbf16>, vector<8000x256xf32> -> vector<8000x256xf32>
    %get3A_31 = arith.constant 0 : index
    %get3A_32 = arith.constant 0 : index
    %get3A_33 = vector.load %arg5[%get3A_31, %get3A_32] : memref<1x256xf32, #tpu.memory_space<vmem>>, vector<1x256xf32>
    %add3A_34 = vector.broadcast %get3A_33 : vector<1x256xf32> to vector<8000x256xf32>
    %add3A_35 = arith.addf %dot_general3A_30, %add3A_34 : vector<8000x256xf32>
    %logistic3A_36 = arith.negf %add3A_35 : vector<8000x256xf32>
    %logistic3A_37 = math.exp %logistic3A_36 : vector<8000x256xf32>
    %logistic3A_38 = arith.constant 1.000000e+00 : f32
    %logistic3A_39 = vector.broadcast %logistic3A_38 : f32 to vector<8000x256xf32>
    %logistic3A_40 = arith.addf %logistic3A_39, %logistic3A_37 : vector<8000x256xf32>
    %logistic3A_41 = arith.divf %logistic3A_39, %logistic3A_40 : vector<8000x256xf32>
    %mul3A_42 = arith.mulf %add3A_35, %logistic3A_41 : vector<8000x256xf32>
    %slice3A = vector.extract_strided_slice %mul3A_42 {offsets = [0, 0], sizes = [8000, 128], strides = [1, 1]} : vector<8000x256xf32> to vector<8000x128xf32>
    %swap3A = arith.constant 0 : index
    %swap3A_43 = arith.constant 0 : index
    %swap3A_44 = vector.load %arg6[%swap3A, %swap3A_43] : memref<8000x128xf32, #tpu.memory_space<vmem>>, vector<8000x128xf32>
    tpu.vector_store %arg6[%swap3A, %swap3A_43], %slice3A {strides = array<i32>} : memref<8000x128xf32, #tpu.memory_space<vmem>>, vector<8000x128xf32>,
    %slice3A_45 = vector.extract_strided_slice %mul3A_42 {offsets = [0, 128], sizes = [8000, 128], strides = [1, 1]} : vector<8000x256xf32> to vector<8000x128xf32>
    %swap3A_46 = arith.constant 0 : index
    %swap3A_47 = arith.constant 0 : index
    %swap3A_48 = vector.load %arg7[%swap3A_46, %swap3A_47] : memref<8000x128xf32, #tpu.memory_space<vmem>>, vector<8000x128xf32>
    tpu.vector_store %arg7[%swap3A_46, %swap3A_47], %slice3A_45 {strides = array<i32>} : memref<8000x128xf32, #tpu.memory_space<vmem>>, vector<8000x128xf32>,
    return
  }
  func.func @transform_0(%arg0: i32) -> (i32, i32) {
    %c0_i32 = arith.constant 0 : i32
    %c0_i32_0 = arith.constant 0 : i32
    return %arg0, %c0_i32 : i32, i32
  }
  func.func @transform_1(%arg0: i32) -> (i32, i32) {
    %c0_i32 = arith.constant 0 : i32
    %c0_i32_0 = arith.constant 0 : i32
    %c0_i32_1 = arith.constant 0 : i32
    return %c0_i32, %c0_i32_0 : i32, i32
  }
  func.func @transform_2(%arg0: i32) -> (i32, i32) {
    %c0_i32 = arith.constant 0 : i32
    %c0_i32_0 = arith.constant 0 : i32
    %c0_i32_1 = arith.constant 0 : i32
    return %c0_i32, %c0_i32_0 : i32, i32
  }
  func.func @transform_3(%arg0: i32) -> (i32, i32) {
    %c0_i32 = arith.constant 0 : i32
    %c0_i32_0 = arith.constant 0 : i32
    %c0_i32_1 = arith.constant 0 : i32
    return %c0_i32, %c0_i32_0 : i32, i32
  }
  func.func @transform_4(%arg0: i32) -> (i32, i32) {
    %c0_i32 = arith.constant 0 : i32
    %c0_i32_0 = arith.constant 0 : i32
    %c0_i32_1 = arith.constant 0 : i32
    return %c0_i32, %c0_i32_0 : i32, i32
  }
  func.func @transform_5(%arg0: i32) -> (i32, i32) {
    %c0_i32 = arith.constant 0 : i32
    %c0_i32_0 = arith.constant 0 : i32
    return %arg0, %c0_i32 : i32, i32
  }
  func.func @transform_6(%arg0: i32) -> (i32, i32) {
    %c0_i32 = arith.constant 0 : i32
    %c0_i32_0 = arith.constant 0 : i32
    return %arg0, %c0_i32 : i32, i32
  }
}

module attributes {stable_mosaic.version = 14 : i64} {
  func.func @_node_mlp_body(%arg0: i32, %arg1: memref<5000x1xi32, #tpu.memory_space<vmem>>, %arg2: memref<5000x128xf32, #tpu.memory_space<vmem>>, %arg3: memref<5000x128xf32, #tpu.memory_space<vmem>>, %arg4: memref<128x256xbf16, #tpu.memory_space<vmem>>, %arg5: memref<512x256xbf16, #tpu.memory_space<vmem>>, %arg6: memref<1x256xf32, #tpu.memory_space<vmem>>, %arg7: memref<512x256xbf16, #tpu.memory_space<vmem>>, %arg8: memref<1x256xf32, #tpu.memory_space<vmem>>, %arg9: memref<512x256xbf16, #tpu.memory_space<vmem>>, %arg10: memref<1x256xf32, #tpu.memory_space<vmem>>, %arg11: memref<256x256xbf16, #tpu.memory_space<vmem>>, %arg12: memref<1x256xf32, #tpu.memory_space<vmem>>, %arg13: memref<1x256xf32, #tpu.memory_space<vmem>>) attributes {dimension_semantics = [#tpu.dimension_semantics<arbitrary>], iteration_bounds = array<i64: 2>, scalar_prefetch = 0 : i64, scratch_operands = 0 : i64, tpu.core_type = #tpu.core_type<tc>, window_params = [{transform_indices = @transform_0, window_bounds = array<i64: 5000, 1>}, {transform_indices = @transform_1, window_bounds = array<i64: 5000, 128>}, {transform_indices = @transform_2, window_bounds = array<i64: 5000, 128>}, {pipeline_mode = #tpu.pipeline_mode<synchronous>, transform_indices = @transform_3, window_bounds = array<i64: 128, 256>}, {pipeline_mode = #tpu.pipeline_mode<synchronous>, transform_indices = @transform_4, window_bounds = array<i64: 512, 256>}, {pipeline_mode = #tpu.pipeline_mode<synchronous>, transform_indices = @transform_5, window_bounds = array<i64: 1, 256>}, {pipeline_mode = #tpu.pipeline_mode<synchronous>, transform_indices = @transform_6, window_bounds = array<i64: 512, 256>}, {pipeline_mode = #tpu.pipeline_mode<synchronous>, transform_indices = @transform_7, window_bounds = array<i64: 1, 256>}, {pipeline_mode = #tpu.pipeline_mode<synchronous>, transform_indices = @transform_8, window_bounds = array<i64: 512, 256>}, {pipeline_mode = #tpu.pipeline_mode<synchronous>, transform_indices = @transform_9, window_bounds = array<i64: 1, 256>}, {pipeline_mode = #tpu.pipeline_mode<synchronous>, transform_indices = @transform_10, window_bounds = array<i64: 256, 256>}, {pipeline_mode = #tpu.pipeline_mode<synchronous>, transform_indices = @transform_11, window_bounds = array<i64: 1, 256>}, {pipeline_mode = #tpu.pipeline_mode<synchronous>, transform_indices = @transform_12, window_bounds = array<i64: 1, 256>}]} {
    %get3A = arith.constant 0 : index
    %get3A_0 = arith.constant 0 : index
    %get3A_1 = vector.load %arg1[%get3A, %get3A_0] : memref<5000x1xi32, #tpu.memory_space<vmem>>, vector<5000x1xi32>
    %iota3A = tpu.iota {dimensions = array<i32: 1>} : vector<5000x128xi32>
    %eq3A = vector.broadcast %get3A_1 : vector<5000x1xi32> to vector<5000x128xi32>
    %eq3A_2 = arith.cmpi eq, %iota3A, %eq3A : vector<5000x128xi32>
    %convert_element_type3A = arith.extui %eq3A_2 : vector<5000x128xi1> to vector<5000x128xi32>
    %convert_element_type3A_3 = arith.sitofp %convert_element_type3A : vector<5000x128xi32> to vector<5000x128xf32>
    %convert_element_type3A_4 = arith.truncf %convert_element_type3A_3 : vector<5000x128xf32> to vector<5000x128xbf16>
    %get3A_5 = arith.constant 0 : index
    %get3A_6 = arith.constant 0 : index
    %get3A_7 = vector.load %arg4[%get3A_5, %get3A_6] : memref<128x256xbf16, #tpu.memory_space<vmem>>, vector<128x256xbf16>
    %dot_general3A = arith.constant dense<0.000000e+00> : vector<5000x256xf32>
    %dot_general3A_8 = tpu.matmul %convert_element_type3A_4, %get3A_7, %dot_general3A {dimension_numbers = #tpu.dot_dimension_numbers<[1], [0], [0], [1], [0, 0, 1, 1], [], []>, transpose_lhs_hint = false} : vector<5000x128xbf16>, vector<128x256xbf16>, vector<5000x256xf32> -> vector<5000x256xf32>
    %get3A_9 = arith.constant 0 : index
    %get3A_10 = arith.constant 0 : index
    %get3A_11 = vector.load %arg2[%get3A_9, %get3A_10] : memref<5000x128xf32, #tpu.memory_space<vmem>>, vector<5000x128xf32>
    %convert_element_type3A_12 = arith.truncf %get3A_11 : vector<5000x128xf32> to vector<5000x128xbf16>
    %get3A_13 = arith.constant 0 : index
    %get3A_14 = arith.constant 0 : index
    %get3A_15 = vector.load %arg3[%get3A_13, %get3A_14] : memref<5000x128xf32, #tpu.memory_space<vmem>>, vector<5000x128xf32>
    %convert_element_type3A_16 = arith.truncf %get3A_15 : vector<5000x128xf32> to vector<5000x128xbf16>
    %convert_element_type3A_17 = arith.truncf %dot_general3A_8 : vector<5000x256xf32> to vector<5000x256xbf16>
    %get3A_18 = arith.constant 0 : index
    %get3A_19 = arith.constant 0 : index
    %get3A_20 = vector.load %arg5[%get3A_18, %get3A_19] : memref<512x256xbf16, #tpu.memory_space<vmem>>, vector<256x256xbf16>
    %dot_general3A_21 = arith.constant dense<0.000000e+00> : vector<5000x256xf32>
    %dot_general3A_22 = tpu.matmul %convert_element_type3A_17, %get3A_20, %dot_general3A_21 {dimension_numbers = #tpu.dot_dimension_numbers<[1], [0], [0], [1], [0, 0, 1, 1], [], []>, transpose_lhs_hint = false} : vector<5000x256xbf16>, vector<256x256xbf16>, vector<5000x256xf32> -> vector<5000x256xf32>
    %get3A_23 = arith.constant 256 : index
    %get3A_24 = arith.constant 0 : index
    %get3A_25 = vector.load %arg5[%get3A_23, %get3A_24] : memref<512x256xbf16, #tpu.memory_space<vmem>>, vector<128x256xbf16>
    %dot_general3A_26 = arith.constant dense<0.000000e+00> : vector<5000x256xf32>
    %dot_general3A_27 = tpu.matmul %convert_element_type3A_12, %get3A_25, %dot_general3A_26 {dimension_numbers = #tpu.dot_dimension_numbers<[1], [0], [0], [1], [0, 0, 1, 1], [], []>, transpose_lhs_hint = false} : vector<5000x128xbf16>, vector<128x256xbf16>, vector<5000x256xf32> -> vector<5000x256xf32>
    %add3A = arith.addf %dot_general3A_22, %dot_general3A_27 : vector<5000x256xf32>
    %get3A_28 = arith.constant 384 : index
    %get3A_29 = arith.constant 0 : index
    %get3A_30 = vector.load %arg5[%get3A_28, %get3A_29] : memref<512x256xbf16, #tpu.memory_space<vmem>>, vector<128x256xbf16>
    %dot_general3A_31 = arith.constant dense<0.000000e+00> : vector<5000x256xf32>
    %dot_general3A_32 = tpu.matmul %convert_element_type3A_16, %get3A_30, %dot_general3A_31 {dimension_numbers = #tpu.dot_dimension_numbers<[1], [0], [0], [1], [0, 0, 1, 1], [], []>, transpose_lhs_hint = false} : vector<5000x128xbf16>, vector<128x256xbf16>, vector<5000x256xf32> -> vector<5000x256xf32>
    %add3A_33 = arith.addf %add3A, %dot_general3A_32 : vector<5000x256xf32>
    %get3A_34 = arith.constant 0 : index
    %get3A_35 = arith.constant 0 : index
    %get3A_36 = vector.load %arg6[%get3A_34, %get3A_35] : memref<1x256xf32, #tpu.memory_space<vmem>>, vector<1x256xf32>
    %add3A_37 = vector.broadcast %get3A_36 : vector<1x256xf32> to vector<5000x256xf32>
    %add3A_38 = arith.addf %add3A_33, %add3A_37 : vector<5000x256xf32>
    %logistic3A = arith.negf %add3A_38 : vector<5000x256xf32>
    %logistic3A_39 = math.exp %logistic3A : vector<5000x256xf32>
    %logistic3A_40 = arith.constant 1.000000e+00 : f32
    %logistic3A_41 = vector.broadcast %logistic3A_40 : f32 to vector<5000x256xf32>
    %logistic3A_42 = arith.addf %logistic3A_41, %logistic3A_39 : vector<5000x256xf32>
    %logistic3A_43 = arith.divf %logistic3A_41, %logistic3A_42 : vector<5000x256xf32>
    %mul3A = arith.mulf %add3A_38, %logistic3A_43 : vector<5000x256xf32>
    %convert_element_type3A_44 = arith.truncf %mul3A : vector<5000x256xf32> to vector<5000x256xbf16>
    %get3A_45 = arith.constant 0 : index
    %get3A_46 = arith.constant 0 : index
    %get3A_47 = vector.load %arg7[%get3A_45, %get3A_46] : memref<512x256xbf16, #tpu.memory_space<vmem>>, vector<256x256xbf16>
    %dot_general3A_48 = arith.constant dense<0.000000e+00> : vector<5000x256xf32>
    %dot_general3A_49 = tpu.matmul %convert_element_type3A_44, %get3A_47, %dot_general3A_48 {dimension_numbers = #tpu.dot_dimension_numbers<[1], [0], [0], [1], [0, 0, 1, 1], [], []>, transpose_lhs_hint = false} : vector<5000x256xbf16>, vector<256x256xbf16>, vector<5000x256xf32> -> vector<5000x256xf32>
    %get3A_50 = arith.constant 256 : index
    %get3A_51 = arith.constant 0 : index
    %get3A_52 = vector.load %arg7[%get3A_50, %get3A_51] : memref<512x256xbf16, #tpu.memory_space<vmem>>, vector<128x256xbf16>
    %dot_general3A_53 = arith.constant dense<0.000000e+00> : vector<5000x256xf32>
    %dot_general3A_54 = tpu.matmul %convert_element_type3A_12, %get3A_52, %dot_general3A_53 {dimension_numbers = #tpu.dot_dimension_numbers<[1], [0], [0], [1], [0, 0, 1, 1], [], []>, transpose_lhs_hint = false} : vector<5000x128xbf16>, vector<128x256xbf16>, vector<5000x256xf32> -> vector<5000x256xf32>
    %add3A_55 = arith.addf %dot_general3A_49, %dot_general3A_54 : vector<5000x256xf32>
    %get3A_56 = arith.constant 384 : index
    %get3A_57 = arith.constant 0 : index
    %get3A_58 = vector.load %arg7[%get3A_56, %get3A_57] : memref<512x256xbf16, #tpu.memory_space<vmem>>, vector<128x256xbf16>
    %dot_general3A_59 = arith.constant dense<0.000000e+00> : vector<5000x256xf32>
    %dot_general3A_60 = tpu.matmul %convert_element_type3A_16, %get3A_58, %dot_general3A_59 {dimension_numbers = #tpu.dot_dimension_numbers<[1], [0], [0], [1], [0, 0, 1, 1], [], []>, transpose_lhs_hint = false} : vector<5000x128xbf16>, vector<128x256xbf16>, vector<5000x256xf32> -> vector<5000x256xf32>
    %add3A_61 = arith.addf %add3A_55, %dot_general3A_60 : vector<5000x256xf32>
    %get3A_62 = arith.constant 0 : index
    %get3A_63 = arith.constant 0 : index
    %get3A_64 = vector.load %arg8[%get3A_62, %get3A_63] : memref<1x256xf32, #tpu.memory_space<vmem>>, vector<1x256xf32>
    %add3A_65 = vector.broadcast %get3A_64 : vector<1x256xf32> to vector<5000x256xf32>
    %add3A_66 = arith.addf %add3A_61, %add3A_65 : vector<5000x256xf32>
    %logistic3A_67 = arith.negf %add3A_66 : vector<5000x256xf32>
    %logistic3A_68 = math.exp %logistic3A_67 : vector<5000x256xf32>
    %logistic3A_69 = arith.constant 1.000000e+00 : f32
    %logistic3A_70 = vector.broadcast %logistic3A_69 : f32 to vector<5000x256xf32>
    %logistic3A_71 = arith.addf %logistic3A_70, %logistic3A_68 : vector<5000x256xf32>
    %logistic3A_72 = arith.divf %logistic3A_70, %logistic3A_71 : vector<5000x256xf32>
    %mul3A_73 = arith.mulf %add3A_66, %logistic3A_72 : vector<5000x256xf32>
    %convert_element_type3A_74 = arith.truncf %mul3A_73 : vector<5000x256xf32> to vector<5000x256xbf16>
    %get3A_75 = arith.constant 0 : index
    %get3A_76 = arith.constant 0 : index
    %get3A_77 = vector.load %arg9[%get3A_75, %get3A_76] : memref<512x256xbf16, #tpu.memory_space<vmem>>, vector<256x256xbf16>
    %dot_general3A_78 = arith.constant dense<0.000000e+00> : vector<5000x256xf32>
    %dot_general3A_79 = tpu.matmul %convert_element_type3A_74, %get3A_77, %dot_general3A_78 {dimension_numbers = #tpu.dot_dimension_numbers<[1], [0], [0], [1], [0, 0, 1, 1], [], []>, transpose_lhs_hint = false} : vector<5000x256xbf16>, vector<256x256xbf16>, vector<5000x256xf32> -> vector<5000x256xf32>
    %get3A_80 = arith.constant 256 : index
    %get3A_81 = arith.constant 0 : index
    %get3A_82 = vector.load %arg9[%get3A_80, %get3A_81] : memref<512x256xbf16, #tpu.memory_space<vmem>>, vector<128x256xbf16>
    %dot_general3A_83 = arith.constant dense<0.000000e+00> : vector<5000x256xf32>
    %dot_general3A_84 = tpu.matmul %convert_element_type3A_12, %get3A_82, %dot_general3A_83 {dimension_numbers = #tpu.dot_dimension_numbers<[1], [0], [0], [1], [0, 0, 1, 1], [], []>, transpose_lhs_hint = false} : vector<5000x128xbf16>, vector<128x256xbf16>, vector<5000x256xf32> -> vector<5000x256xf32>
    %add3A_85 = arith.addf %dot_general3A_79, %dot_general3A_84 : vector<5000x256xf32>
    %get3A_86 = arith.constant 384 : index
    %get3A_87 = arith.constant 0 : index
    %get3A_88 = vector.load %arg9[%get3A_86, %get3A_87] : memref<512x256xbf16, #tpu.memory_space<vmem>>, vector<128x256xbf16>
    %dot_general3A_89 = arith.constant dense<0.000000e+00> : vector<5000x256xf32>
    %dot_general3A_90 = tpu.matmul %convert_element_type3A_16, %get3A_88, %dot_general3A_89 {dimension_numbers = #tpu.dot_dimension_numbers<[1], [0], [0], [1], [0, 0, 1, 1], [], []>, transpose_lhs_hint = false} : vector<5000x128xbf16>, vector<128x256xbf16>, vector<5000x256xf32> -> vector<5000x256xf32>
    %add3A_91 = arith.addf %add3A_85, %dot_general3A_90 : vector<5000x256xf32>
    %get3A_92 = arith.constant 0 : index
    %get3A_93 = arith.constant 0 : index
    %get3A_94 = vector.load %arg10[%get3A_92, %get3A_93] : memref<1x256xf32, #tpu.memory_space<vmem>>, vector<1x256xf32>
    %add3A_95 = vector.broadcast %get3A_94 : vector<1x256xf32> to vector<5000x256xf32>
    %add3A_96 = arith.addf %add3A_91, %add3A_95 : vector<5000x256xf32>
    %logistic3A_97 = arith.negf %add3A_96 : vector<5000x256xf32>
    %logistic3A_98 = math.exp %logistic3A_97 : vector<5000x256xf32>
    %logistic3A_99 = arith.constant 1.000000e+00 : f32
    %logistic3A_100 = vector.broadcast %logistic3A_99 : f32 to vector<5000x256xf32>
    %logistic3A_101 = arith.addf %logistic3A_100, %logistic3A_98 : vector<5000x256xf32>
    %logistic3A_102 = arith.divf %logistic3A_100, %logistic3A_101 : vector<5000x256xf32>
    %mul3A_103 = arith.mulf %add3A_96, %logistic3A_102 : vector<5000x256xf32>
    %convert_element_type3A_104 = arith.truncf %mul3A_103 : vector<5000x256xf32> to vector<5000x256xbf16>
    %get3A_105 = arith.constant 0 : index
    %get3A_106 = arith.constant 0 : index
    %get3A_107 = vector.load %arg11[%get3A_105, %get3A_106] : memref<256x256xbf16, #tpu.memory_space<vmem>>, vector<256x256xbf16>
    %dot_general3A_108 = arith.constant dense<0.000000e+00> : vector<5000x256xf32>
    %dot_general3A_109 = tpu.matmul %convert_element_type3A_104, %get3A_107, %dot_general3A_108 {dimension_numbers = #tpu.dot_dimension_numbers<[1], [0], [0], [1], [0, 0, 1, 1], [], []>, transpose_lhs_hint = false} : vector<5000x256xbf16>, vector<256x256xbf16>, vector<5000x256xf32> -> vector<5000x256xf32>
    %get3A_110 = arith.constant 0 : index
    %get3A_111 = arith.constant 0 : index
    %get3A_112 = vector.load %arg12[%get3A_110, %get3A_111] : memref<1x256xf32, #tpu.memory_space<vmem>>, vector<1x256xf32>
    %add3A_113 = vector.broadcast %get3A_112 : vector<1x256xf32> to vector<5000x256xf32>
    %add3A_114 = arith.addf %dot_general3A_109, %add3A_113 : vector<5000x256xf32>
    %logistic3A_115 = arith.negf %add3A_114 : vector<5000x256xf32>
    %logistic3A_116 = math.exp %logistic3A_115 : vector<5000x256xf32>
    %logistic3A_117 = arith.constant 1.000000e+00 : f32
    %logistic3A_118 = vector.broadcast %logistic3A_117 : f32 to vector<5000x256xf32>
    %logistic3A_119 = arith.addf %logistic3A_118, %logistic3A_116 : vector<5000x256xf32>
    %logistic3A_120 = arith.divf %logistic3A_118, %logistic3A_119 : vector<5000x256xf32>
    %mul3A_121 = arith.mulf %add3A_114, %logistic3A_120 : vector<5000x256xf32>
    %reduce_sum3A = arith.constant dense<0.000000e+00> : vector<256xf32>
    %reduce_sum3A_122 = vector.multi_reduction <add>, %mul3A_121, %reduce_sum3A [0] : vector<5000x256xf32> to vector<256xf32>
    %broadcast_in_dim3A = vector.shape_cast %reduce_sum3A_122 : vector<256xf32> to vector<1x256xf32>
    %mul3A_123 = arith.constant 9.99999974E-5 : f32
    %mul3A_124 = vector.broadcast %mul3A_123 : f32 to vector<1x256xf32>
    %mul3A_125 = arith.mulf %broadcast_in_dim3A, %mul3A_124 : vector<1x256xf32>
    %eq3A_126 = arith.constant 0 : i32
    %eq3A_127 = arith.cmpi eq, %arg0, %eq3A_126 : i32
    %convert_element_type3A_128 = arith.extui %eq3A_127 : i1 to i32
    %cond3A = arith.constant 0 : i32
    %cond3A_129 = arith.cmpi ne, %convert_element_type3A_128, %cond3A : i32
    scf.if %cond3A_129 {
      %broadcast_in_dim3A_136 = arith.constant 0.000000e+00 : f32
      %broadcast_in_dim3A_137 = vector.broadcast %broadcast_in_dim3A_136 : f32 to vector<1x256xf32>
      %swap3A_138 = arith.constant 0 : index
      %swap3A_139 = arith.constant 0 : index
      %swap3A_140 = vector.load %arg13[%swap3A_138, %swap3A_139] : memref<1x256xf32, #tpu.memory_space<vmem>>, vector<1x256xf32>
      tpu.vector_store %arg13[%swap3A_138, %swap3A_139], %broadcast_in_dim3A_137 {strides = array<i32>} : memref<1x256xf32, #tpu.memory_space<vmem>>, vector<1x256xf32>,
    } else {
    }
    %get3A_130 = arith.constant 0 : index
    %get3A_131 = arith.constant 0 : index
    %get3A_132 = vector.load %arg13[%get3A_130, %get3A_131] : memref<1x256xf32, #tpu.memory_space<vmem>>, vector<1x256xf32>
    %add3A_133 = arith.addf %get3A_132, %mul3A_125 : vector<1x256xf32>
    %swap3A = arith.constant 0 : index
    %swap3A_134 = arith.constant 0 : index
    %swap3A_135 = vector.load %arg13[%swap3A, %swap3A_134] : memref<1x256xf32, #tpu.memory_space<vmem>>, vector<1x256xf32>
    tpu.vector_store %arg13[%swap3A, %swap3A_134], %add3A_133 {strides = array<i32>} : memref<1x256xf32, #tpu.memory_space<vmem>>, vector<1x256xf32>,
    return
  }
  func.func @transform_0(%arg0: i32) -> (i32, i32) {
    %c0_i32 = arith.constant 0 : i32
    %c0_i32_0 = arith.constant 0 : i32
    return %arg0, %c0_i32 : i32, i32
  }
  func.func @transform_1(%arg0: i32) -> (i32, i32) {
    %c0_i32 = arith.constant 0 : i32
    %c0_i32_0 = arith.constant 0 : i32
    return %arg0, %c0_i32 : i32, i32
  }
  func.func @transform_2(%arg0: i32) -> (i32, i32) {
    %c0_i32 = arith.constant 0 : i32
    %c0_i32_0 = arith.constant 0 : i32
    return %arg0, %c0_i32 : i32, i32
  }
  func.func @transform_3(%arg0: i32) -> (i32, i32) {
    %c0_i32 = arith.constant 0 : i32
    %c0_i32_0 = arith.constant 0 : i32
    %c0_i32_1 = arith.constant 0 : i32
    return %c0_i32, %c0_i32_0 : i32, i32
  }
  func.func @transform_4(%arg0: i32) -> (i32, i32) {
    %c0_i32 = arith.constant 0 : i32
    %c0_i32_0 = arith.constant 0 : i32
    %c0_i32_1 = arith.constant 0 : i32
    return %c0_i32, %c0_i32_0 : i32, i32
  }
  func.func @transform_5(%arg0: i32) -> (i32, i32) {
    %c0_i32 = arith.constant 0 : i32
    %c0_i32_0 = arith.constant 0 : i32
    %c0_i32_1 = arith.constant 0 : i32
    return %c0_i32, %c0_i32_0 : i32, i32
  }
  func.func @transform_6(%arg0: i32) -> (i32, i32) {
    %c0_i32 = arith.constant 0 : i32
    %c0_i32_0 = arith.constant 0 : i32
    %c0_i32_1 = arith.constant 0 : i32
    return %c0_i32, %c0_i32_0 : i32, i32
  }
  func.func @transform_7(%arg0: i32) -> (i32, i32) {
    %c0_i32 = arith.constant 0 : i32
    %c0_i32_0 = arith.constant 0 : i32
    %c0_i32_1 = arith.constant 0 : i32
    return %c0_i32, %c0_i32_0 : i32, i32
  }
  func.func @transform_8(%arg0: i32) -> (i32, i32) {
    %c0_i32 = arith.constant 0 : i32
    %c0_i32_0 = arith.constant 0 : i32
    %c0_i32_1 = arith.constant 0 : i32
    return %c0_i32, %c0_i32_0 : i32, i32
  }
  func.func @transform_9(%arg0: i32) -> (i32, i32) {
    %c0_i32 = arith.constant 0 : i32
    %c0_i32_0 = arith.constant 0 : i32
    %c0_i32_1 = arith.constant 0 : i32
    return %c0_i32, %c0_i32_0 : i32, i32
  }
  func.func @transform_10(%arg0: i32) -> (i32, i32) {
    %c0_i32 = arith.constant 0 : i32
    %c0_i32_0 = arith.constant 0 : i32
    %c0_i32_1 = arith.constant 0 : i32
    return %c0_i32, %c0_i32_0 : i32, i32
  }
  func.func @transform_11(%arg0: i32) -> (i32, i32) {
    %c0_i32 = arith.constant 0 : i32
    %c0_i32_0 = arith.constant 0 : i32
    %c0_i32_1 = arith.constant 0 : i32
    return %c0_i32, %c0_i32_0 : i32, i32
  }
  func.func @transform_12(%arg0: i32) -> (i32, i32) {
    %c0_i32 = arith.constant 0 : i32
    %c0_i32_0 = arith.constant 0 : i32
    %c0_i32_1 = arith.constant 0 : i32
    return %c0_i32, %c0_i32_0 : i32, i32
  }
}

</mosaic_0001>

<sc_bundles>
// kernel: kernel.5.cloned.1.call-start
scs
__scs_entry_jumppad:
0x0: {  	(pc) =	sbr.rel $0x88, $3  }
0x1: {  	(tag) =	ssettag $0x0;
	lr =	simm.s32 $0x1  }
0x2: {  	[smem:$0x3F91] =	sst lr;
	_ =	strace $0xD0000000  }
0x3: {  	_ = 	snop  }
0x4: {  	_ = 	snop  }
0x5: {  	_ = 	snop  }
0x6: {  	_ = 	snop  }
0x7: {  	_ = 	snop  }
__scs_overlays_trampoline_lowered:
0x8: {  	[smem:$0x3FA0] =	sst s0  }
0x9: {  	[smem:$0x3FA1] =	sst s1  }
0xa: {  	[smem:$0x3FA2] =	sst s2  }
0xb: {  	[smem:$0x3FA3] =	sst s3  }
0xc: {  	[smem:$0x3FA4] =	sst s4  }
0xd: {  	[smem:$0x3FA5] =	sst s5  }
0xe: {  	[smem:$0x3FA6] =	sst s6  }
0xf: {  	[smem:$0x3FA7] =	sst s7  }
0x10: {  	[smem:$0x3FA8] =	sst s8  }
0x11: {  	[smem:$0x3FA9] =	sst s9;
	s0 =	simm.s32 @!p0 $0x0  }
0x12: {  	s1 =	sld [smem:$0x3F8F];
	s0 =	simm.s32 @p0 $0x1  }
0x13: {  	[smem:$0x3FAA] =	sst s0;
	s0 =	simm.s32 @!p1 $0x0  }
0x14: {  	s2 =	sld [smem:$0x3F8E];
	s0 =	simm.s32 @p1 $0x1  }
0x15: {  	[smem:$0x3FAB] =	sst s0;
	s0 =	simm.s32 @!p2 $0x0  }
0x16: {  	s3 =	sld [smem:$0x3FDB];
	s0 =	simm.s32 @p2 $0x1  }
0x17: {  	s4 =	simm.s32 $0x1BF5;
	[smem:$0x3FAD] =	sst s0  }
0x18: {  	s0 =	sld [smem:$0x3F90];
	_ =	swait.ge [sflag:s4], $0x0  }
0x19: {  	s7 =	sld [smem:$0x3F91]  }
0x1a: {  	s8 =	sadd.s32 $0xFFFFE003, lr  }
0x1b: {  	s9 =	sadd.s32 $0xFFFFFEF7, lr;
	s5 =	simm.s32 $0xFFFFFFFF;
	p2 =	slt.u32 s8, $0xFFFFF086  }
0x1c: {  	p1 =	slt.u32 s9, $0xF7A;
	s5 =	simm.s32 @!p2 $0x0  }
0x1d: {  	s5 =	simm.s32 @p1 $0x1;
	p0 =	seq.s32 s7, s2  }
0x1e: {  	s7 =	smul.u32 @!p0 $0xF7A, s2;
	p2 =	seq.s32 @!p0 s5, $0x0  }
0x1f: {  	s9 =	smul.u32 $0xF7A, s1;
	s8 =	simm.s32 @!p0 $0x1BF5;
	p2 =	por !p2, p0  }
0x20: {  	[sflag:s8] =	ssyncset.s32 @!p0 $0xFFFFF086;
	s6 =	sadd.s32 @!p0 s3, s7;
	s7 =	simm.s32 @!p0 $0x108  }
0x21: {  	s3 =	sadd.s32 s3, s9;
	s6 =	sadd.s32 @!p0 $0x88, s6;
	s7 =	simm.s32 @p2 $0x1082  }
0x22: {  	[simem:s7], [sflag:s8] =	dma.local @!p0 [hbm:s6], $0xF7A  }
0x23: {  	s9 =	sor.u32 $0xD0000000, s2;
	s6 =	simm.s32 $0x108;
	_ =	swait.ge @!p0 [sflag:s8], $0x0  }
0x24: {  	s3 =	sadd.s32 $0x88, s3;
	s6 =	simm.s32 @!p1 $0x1082;
	[sflag:s4] =	ssyncset.s32 $0xFFFFF086  }
0x25: {  	[simem:s6], [sflag:s4] =	dma.local [hbm:s3], $0xF7A  }
0x26: {  	[smem:$0x3F91] =	sst s1;
	(tag) =	ssettag s2;
	_ =	strace s9  }
0x27: {  	s1 =	sld [smem:$0x3FA1]  }
0x28: {  	s2 =	sld [smem:$0x3FA2]  }
0x29: {  	s4 =	sld [smem:$0x3FA4]  }
0x2a: {  	p0 =	seq.s32 s5, $0x0;
	s5 =	sld [smem:$0x3FA5]  }
0x2b: {  	s6 =	sld [smem:$0x3FA6]  }
0x2c: {  	s7 =	sld [smem:$0x3FA7]  }
0x2d: {  	s3 =	simm.s32 $0x108;
	s8 =	sld [smem:$0x3FA8]  }
0x2e: {  	s3 =	simm.s32 @!p0 $0x1082;
	s9 =	sld [smem:$0x3FA9]  }
0x2f: {  	lr =	sadd.s32 s0, s3;
	s0 =	sld [smem:$0x3FA0]  }
0x30: {  	s3 =	sld [smem:$0x3FA3]  }
0x31: {  	[smem:$0x3FAC] =	sst s10  }
0x32: {  	s10 =	sld [smem:$0x3FAA];
	_ =	sdelay $0x3  }
0x33: {  	p0 =	seq.s32 s10, $0x1;
	s10 =	sld [smem:$0x3FAC];
	_ =	sdelay $0x3  }
0x34: {  	[smem:$0x3FAC] =	sst s10  }
0x35: {  	s10 =	sld [smem:$0x3FAB];
	_ =	sdelay $0x3  }
0x36: {  	p1 =	seq.s32 s10, $0x1;
	s10 =	sld [smem:$0x3FAC];
	_ =	sdelay $0x3  }
0x37: {  	[smem:$0x3FAC] =	sst s10  }
0x38: {  	s10 =	sld [smem:$0x3FAD]  }
0x39: {  	_ = 	snop;
	(pc) =	sbr.ind lr, $3  }
0x3a: {  	_ = 	snop  }
0x3b: {  	_ = 	snop  }
0x3c: {  	p2 =	seq.s32 s10, $0x1;
	s10 =	sld [smem:$0x3FAC]  }
0x3d: {  	_ =	shalt  }
0x3e: {  	_ =	shalt  }
0x3f: {  	_ =	shalt  }
0x40: {  	_ =	shalt  }
0x41: {  	_ =	shalt  }
0x42: {  	_ =	shalt  }
0x43: {  	_ =	shalt  }
0x44: {  	_ =	shalt  }
0x45: {  	_ =	shalt  }
0x46: {  	_ =	shalt  }
0x47: {  	_ =	shalt  }
0x48: {  	_ =	shalt  }
0x49: {  	_ =	shalt  }
0x4a: {  	_ =	shalt  }
0x4b: {  	_ =	shalt  }
0x4c: {  	_ =	shalt  }
0x4d: {  	_ =	shalt  }
0x4e: {  	_ =	shalt  }
0x4f: {  	_ =	shalt  }
0x50: {  	_ =	shalt  }
0x51: {  	_ =	shalt  }
0x52: {  	_ =	shalt  }
0x53: {  	_ =	shalt  }
0x54: {  	_ =	shalt  }
0x55: {  	_ =	shalt  }
0x56: {  	_ =	shalt  }
0x57: {  	_ =	shalt  }
0x58: {  	_ =	shalt  }
0x59: {  	_ =	shalt  }
0x5a: {  	_ =	shalt  }
0x5b: {  	_ =	shalt  }
0x5c: {  	_ =	shalt  }
0x5d: {  	_ =	shalt  }
0x5e: {  	_ =	shalt  }
0x5f: {  	_ =	shalt  }
0x60: {  	_ =	shalt  }
0x61: {  	_ =	shalt  }
0x62: {  	_ =	shalt  }
0x63: {  	_ =	shalt  }
0x64: {  	_ =	shalt  }
0x65: {  	_ =	shalt  }
0x66: {  	_ =	shalt  }
0x67: {  	_ =	shalt  }
0x68: {  	_ =	shalt  }
0x69: {  	_ =	shalt  }
0x6a: {  	_ =	shalt  }
0x6b: {  	_ =	shalt  }
0x6c: {  	_ =	shalt  }
0x6d: {  	_ =	shalt  }
0x6e: {  	_ =	shalt  }
0x6f: {  	_ =	shalt  }
0x70: {  	_ =	shalt  }
0x71: {  	_ =	shalt  }
0x72: {  	_ =	shalt  }
0x73: {  	_ =	shalt  }
0x74: {  	_ =	shalt  }
0x75: {  	_ =	shalt  }
0x76: {  	_ =	shalt  }
0x77: {  	_ =	shalt  }
0x78: {  	_ =	shalt  }
0x79: {  	_ =	shalt  }
0x7a: {  	_ =	shalt  }
0x7b: {  	_ =	shalt  }
0x7c: {  	_ =	shalt  }
0x7d: {  	_ =	shalt  }
0x7e: {  	_ =	shalt  }
0x7f: {  	_ =	shalt  }
0x80: {  	_ =	shalt  }
0x81: {  	_ =	shalt  }
0x82: {  	_ =	shalt  }
0x83: {  	_ =	shalt  }
0x84: {  	_ =	shalt  }
0x85: {  	_ =	shalt  }
0x86: {  	_ =	shalt  }
0x87: {  	_ =	shalt  }
.Lfunc_end0:
.L_simem_size_0:
called_computation_lowered:
.L_overlay_start_0:
0x88: {  	s2 =	sld [smem:$0x3FD9]  }
0x89: {  	s3 =	sld [smem:$0x3FFE];
	_ =	sdelay $0x1  }
0x8a: {  	s1 =	srdreg.scid  }
0x8b: {  	s0 =	sand.u32 $0x1, s1  }
0x8c: {  	s17 =	sshll.u32 s0, $0xA;
	s2 =	sadd.s32 s3, s2  }
0x8d: {  	s2 =	sadd.s32 s2, s17  }
0x8e: {  	[smem:$0x3FB8] =	sst s2  }
0x8f: {  	_ = 	snop  }
0x90: {  	s2 =	sld [smem:$0x3FC8];
	(tm) =	ssettm $0x1  }
0x91: {  	s18 =	sld [smem:$0x3FFB];
	_ =	sdelay $0x3  }
0x92: {  	_ =	strace s18  }
0x93: {  	s3 =	sld [smem:$0x3FFC];
	_ =	sdelay $0x3  }
0x94: {  	_ =	strace s3  }
0x95: {  	s3 =	sld [smem:$0x3FFD];
	_ =	sdelay $0x3  }
0x96: {  	_ =	strace s3  }
0x97: {  	_ =	strace $0x8FFFFFFF  }
0x98: {  	s19 =	sld [smem:$0x3FDB];
	_ =	sdelay $0x1  }
0x99: {  	s4 =	simm.s32 $_scs_section_size  }
0x9a: {  	s5 =	simm.s32 $_size__tile_overlayer_lowered;
	s6 =	simm.s32 $_tile_overlayer_lowered  }
0x9b: {  	s22 =	simm.s32 $0x1BFF;
	s21 =	sshll.u32 s6, $0x1;
	s3 =	sadd.s32 s4, s19  }
0x9c: {  	s7 =	simm.s32 $0x0;
	s20 =	sshll.u32 s5, $0x1;
	s5 =	sadd.s32 s21, s3  }
0x9d: {  	[timem:s7], [sflag:s22] =	dma.local [hbm:s5], s20  }
0x9e: {  	_ =	swait.ge [sflag:s22], s20  }
0x9f: {  	s4 =	ssub.s32 $0x0, s20;
	[sflag:s22] =	ssyncset.done $0x0  }
0xa0: {  	[sflag:s22] =	ssyncadd.s32 s4;
	_ =	sdelay $0x1  }
0xa1: {  	s23 =	simm.s32 $0x1B8B  }
0xa2: {  	_ =	swait.ge [sflag:s23], $0x1  }
0xa3: {  	[sflag:s23] =	ssyncset.done $0x0  }
0xa4: {  	s25 =	simm.s32 $0x1B8E;
	s24 =	sld [smem:$0x3FFE];
	[sflag:s23] =	ssyncadd.s32 $0xFFFFFFFF  }
0xa5: {  	s26 =	simm.s32 $execute0_lowered;
	[smem:$0x3FD2] =	sst s25  }
0xa6: {  	s5 =	sshll.u32 s26, $0x1;
	_ =	strace $0x80000046;
	[dreg:$0x1] =	wrdreg $0xFFFFFFFF  }
0xa7: {  	s28 =	simm.s32 $_size_execute0_lowered;
	s3 =	sadd.s32 s3, s5;
	[dreg:$0x0] =	wrdreg $0x0  }
0xa8: {  	s5 =	sshll.u32 s28, $0x1;
	[dreg:$0x2] =	wrdreg s3  }
0xa9: {  	[dreg:$0x3] =	wrdreg s5  }
0xaa: {  	[dreg:$0x4] =	wrdreg $0xC0  }
0xab: {  	_ =	task [dreg:s7], $0x5FFFF  }
0xac: {  	[dreg:$0x1] =	wrdreg $0xFFFFFFFF  }
0xad: {  	[dreg:$0x0] =	wrdreg $0x60  }
0xae: {  	[dreg:$0x2] =	wrdreg s24  }
0xaf: {  	[dreg:$0x3] =	wrdreg s2  }
0xb0: {  	[dreg:$0x4] =	wrdreg $0x51000  }
0xb1: {  	[dreg:$0x5] =	wrdreg $0x9  }
0xb2: {  	_ =	task.clear_ibuf [dreg:s7], $0x6FFFF;
	_ =	strace $0x90000046  }
0xb3: {  	s29 =	simm.s32 $0x9;
	_ =	strace $0x80000048  }
0xb4: {  	_ =	swait.ge [sflag:s29], $0x1  }
0xb5: {  	[sflag:s29] =	ssyncadd.s32 $0xFFFFFFFF  }
0xb6: {  	_ =	strace $0x90000048  }
0xb7: {  	_ =	sfence  }
0xb8: {  	s30 =	sld [smem:$0x0];
	_ =	sdelay $0x2  }
0xb9: {  	s31 =	sshll.u32 s1, $0xD;
	s1 =	sshrl.u32 s1, $0x2  }
0xba: {  	s3 =	sand.u32 $0x4000, s31;
	s1 =	sadd.s32 s1, s30  }
0xbb: {  	s0 =	sor.u32 s3, s0;
	s1 =	sshll.u32 s1, $0x11  }
0xbc: {  	s0 =	sor.u32 s1, s0  }
0xbd: {  	s0 =	sadd.s32 $0x8F2B, s0  }
0xbe: {  	[sflag:s0] =	ssyncadd.remote.s32 $0x1  }
0xbf: {  	_ =	sfence.sel $0xFFFF  }
0xc0: {  	[dreg:$0x0] =	wrdreg $0xFFFFFFFF;
	(pc) =	sbr.abs _section_cstart, $3  }
0xc1: {  	[dreg:$0x1] =	wrdreg $0xFFFFFFFF  }
0xc2: {  	_ =	task.clear_ibuf [dreg:s7], $0x2FFFF;
	_ =	strace $0x9FFFFFFF  }
0xc3: {  	(tm) =	ssettm $0x7FFFFFFF  }
tec
execute0_lowered:
.L_overlay_start_1:
0x0: {  	(tag) =	ssettag $0x1  }
0x1: {  	s0 =	rddreg [dreg:$0x0]  }
0x2: {  	s7 =	rddreg [dreg:$0x1]  }
0x3: {  	s1 =	rddreg [dreg:$0x2]  }
0x4: {  	s2 =	simm.s32 $0x0;
	s4 =	srdreg.scid;
	s3 =	stileid.u32  }
0x5: {  	s28 =	simm.s32 $0x2800;
	s29 =	simm.s32 $0x3;
	s30 =	simm.s32 $0x4  }
0x6: {  	s31 =	simm.s32 $0x0;
	[smem:$0x7FF] =	sst s2;
	s5 =	smul.u32 $0x2800, s3  }
0x7: {  	s10 =	sadd.s32 $0x273A00, s0;
	s11 =	sand.u32 $0x1, s4;
	s9 =	smul.u32 $0x50000, s3  }
0x8: {  	s12 =	sadd.s32 $0x4E4A00, s0;
	s4 =	sadd.s32 $0x2A00, s0;
	s15 =	smul.u32 $0x2710, s3  }
0x9: {  	p0 =	seq.s32 s3, $0xF;
	p3 =	sne.s32 s3, $0xF;
	s25 =	smul.u32 $0x27100, s3  }
0xa: {  	s17 =	sadd.s32 $0x2AA00, s0;
	_ =	strace $0x80000047;
	s6 =	ssub.s32 $0x2, s11  }
0xb: {  	p4 =	seq.s32 s11, $0x0;
	p1 =	seq.s32 s11, $0x1;
	[dreg:$0x7] =	wrdreg s17  }
0xc: {  	s8 =	sshrl.u32 s6, $0x1;
	s13 =	sadd.s32 s5, s0;
	s5 =	sadd.s32 $0x12C000, s1  }
0xd: {  	s23 =	sshrl.u32 s9, $0x2;
	s24 =	sshrl.u32 s15, $0x3;
	s9 =	sadd.s32 s12, s25  }
0xe: {  	s16 =	sadd.s32 $0x50, s15;
	s19 =	sadd.s32 $0xA0, s15;
	p2 =	por !p4, !p3  }
0xf: {  	p4 =	por !p4, !p0;
	p3 =	por !p3, !p1;
	p5 =	por !p1, !p0  }
0x10: {  	s0 =	sadd.s32 $0x51C00, s0;
	s14 =	ssub.s32 s6, s8;
	s6 =	sadd.s32 s23, s1  }
0x11: {  	s8 =	sadd.s32 s7, s24;
	p2 =	por !p2, !p2;
	s26 =	sadd.s32 $0x5200, s13  }
0x12: {  	p6 =	por !p4, !p4;
	p3 =	por !p3, !p3;
	s13 =	sadd.s32 $0x2C400, s13  }
0x13: {  	p4 =	por !p5, !p5;
	[dreg:$0x8] =	wrdreg s0;
	s18 =	sshrl.u32 s16, $0x3  }
0x14: {  	s21 =	sshll.u32 s16, $0x4;
	s23 =	sshrl.u32 s19, $0x3;
	[dreg:$0x4] =	wrdreg s8  }
0x15: {  	s24 =	smul.u32 $0x4E2, s3;
	p5 =	sne.s32 s11, $0x0;
	[dreg:$0x5] =	wrdreg s26  }
0x16: {  	s8 =	sadd.s32 s10, s25;
	[dreg:$0x6] =	wrdreg s13;
	s20 =	smax.u32 s14, $0x1  }
0x17: {  	s0 =	sadd.s32 s7, s18;
	s22 =	sadd.s32 s10, s21;
	[dreg:$0x9] =	wrdreg s20  }
0x18: {  	s17 =	sadd.s32 s12, s21;
	s18 =	sadd.s32 s7, s23;
	[dreg:$0xa] =	wrdreg s0  }
0x19: {  	s25 =	sshll.u32 s19, $0x4;
	s23 =	simm.s32 $0x1;
	[dreg:$0xb] =	wrdreg s22  }
0x1a: {  	s19 =	sadd.s32 s10, s25;
	s20 =	sadd.s32 s12, s25;
	s26 =	sadd.s32 s24, s7  }
0x1b: {  	s22 =	simm.s32 $0x5000;
	s24 =	simm.s32 $0x50;
	s0 =	simm.s32 @!p6 $0x0  }
0x1c: {  	s25 =	simm.s32 $0x5080;
	s21 =	sadd.s32 $0x28, s26;
	s0 =	simm.s32 @p6 $0x1  }
0x1d: {  	p6 =	por !p3, p6;
	s26 =	simm.s32 $0x2;
	[smem:$0x7FD] =	sst s0  }
.LBB2_1:
0x1e: {  	s0 =	sshrl.u32 @p0 s5, $0x3;
	s7 =	simm.s32 @p0 $0x1FC5  }
0x1f: {  	[spmem:s0], [sflag:s7] =	dma.local @p0 [hbm:s4], $0x1900  }
0x20: {  	s0 =	simm.s32 @p0 $0x5  }
0x21: {  	_ =	swait.ge @p0 [sflag:s0], $0x1900  }
0x22: {  	s7 =	sshll.u32 @!p0 s3, $0x6;
	[sflag:s0] =	ssyncset.done @p0 $0x0  }
0x23: {  	[sflag:s0] =	ssyncadd.s32 @p0 $0xFFFFE700;
	s0 =	sor.u32 @!p0 $0x1C05, s7;
	s7 =	sshrl.u32 @!p0 s6, $0x3  }
0x24: {  	[spmem:s7], [sflag:s0] =	dma.local @!p0 [hbm:s4], $0x2800  }
0x25: {  	s0 =	simm.s32 @!p0 $0x5  }
0x26: {  	_ =	swait.ge @!p0 [sflag:s0], $0x2800  }
0x27: {  	[sflag:s0] =	ssyncset.done @!p0 $0x0  }
0x28: {  	[sflag:s0] =	ssyncadd.s32 @!p0 $0xFFFFD800  }
0x29: {  	[bflag:$0x0] =	sbarrier.arrive $0xFFFF  }
0x2a: {  	s16 =	rddreg [dreg:$0x4]  }
0x2b: {  	[tilespmem:s22], [sflag:$0x1] =	stream.linear.gather [hbm4b:s16+s2], $0x50, $0x38;
	[tilespmem:$0x18980] =	vst v63  }
0x2c: {  	s0 =	simm.s32 @!p5 $0x0  }
0x2d: {  	[tilespmem:s0], [sflag:$0x1] =	stream.linear.gather @!p5 [hbm4b:s8+s0], $0x2800, $0x38;
	[tilespmem:$0x18980] =	vst v63  }
0x2e: {  	s7 =	simm.s32 @p1 $0x0  }
0x2f: {  	[tilespmem:s7], [sflag:$0x1] =	stream.linear.gather @p1 [hbm4b:s9+s7], $0x2800, $0x38;
	[tilespmem:$0x18980] =	vst v63  }
0x30: {  	_ =	swait.ge [sflag:s23], $0x50  }
0x31: {  	[sflag:s23] =	ssyncset.done $0x0  }
0x32: {  	[sflag:s23] =	ssyncadd.s32 $0xFFFFFFB0  }
0x33: {  	_ =	swait.ge [sflag:s23], $0x2800  }
0x34: {  	[sflag:s23] =	ssyncset.done $0x0  }
0x35: {  	[sflag:s23] =	ssyncadd.s32 $0xFFFFD800  }
0x36: {  	[spmem:s1] =	stream.indirect.scatter.add.f32 [tilespmem:s2], [sflag:$0x3], $0x80, s22, s24, $0xb8;
	[tilespmem:$0x18980] =	vst v63  }
0x37: {  	s10 =	rddreg [dreg:$0xa]  }
0x38: {  	[tilespmem:s25], [sflag:$0x2] =	stream.linear.gather [hbm4b:s10+s2], $0x50, $0x38;
	[tilespmem:$0x18980] =	vst v63  }
0x39: {  	s11 =	rddreg [dreg:$0xb];
	s10 =	simm.s32 @!p5 $0x2800  }
0x3a: {  	[tilespmem:s10], [sflag:$0x2] =	stream.linear.gather @!p5 [hbm4b:s11+s0], $0x2800, $0x38;
	[tilespmem:$0x18980] =	vst v63  }
0x3b: {  	s11 =	simm.s32 @p1 $0x2800  }
0x3c: {  	[tilespmem:s11], [sflag:$0x2] =	stream.linear.gather @p1 [hbm4b:s17+s7], $0x2800, $0x38;
	[tilespmem:$0x18980] =	vst v63  }
0x3d: {  	_ =	swait.ge [sflag:s26], $0x50  }
0x3e: {  	[sflag:s26] =	ssyncset.done $0x0  }
0x3f: {  	[sflag:s26] =	ssyncadd.s32 $0xFFFFFFB0  }
0x40: {  	_ =	swait.ge [sflag:s26], $0x2800  }
0x41: {  	[sflag:s26] =	ssyncset.done $0x0  }
0x42: {  	[sflag:s26] =	ssyncadd.s32 $0xFFFFD800  }
0x43: {  	[spmem:s1] =	stream.indirect.scatter.add.f32 [tilespmem:s28], [sflag:$0x4], $0x80, s25, s24, $0xb8;
	[tilespmem:$0x18980] =	vst v63  }
0x44: {  	_ =	swait.ge [sflag:s29], $0x2800  }
0x45: {  	[sflag:s29] =	ssyncset.done $0x0  }
0x46: {  	[sflag:s29] =	ssyncadd.s32 $0xFFFFD800  }
0x47: {  	[tilespmem:s22], [sflag:$0x1] =	stream.linear.gather [hbm4b:s18+s2], $0x50, $0x38;
	[tilespmem:$0x18980] =	vst v63  }
0x48: {  	_ = 	snop  }
0x49: {  	[tilespmem:s0], [sflag:$0x1] =	stream.linear.gather @!p5 [hbm4b:s19+s0], $0x2800, $0x38;
	[tilespmem:$0x18980] =	vst v63  }
0x4a: {  	_ = 	snop  }
0x4b: {  	[tilespmem:s7], [sflag:$0x1] =	stream.linear.gather @p1 [hbm4b:s20+s7], $0x2800, $0x38;
	[tilespmem:$0x18980] =	vst v63  }
0x4c: {  	_ =	swait.ge [sflag:s23], $0x50  }
0x4d: {  	[sflag:s23] =	ssyncset.done $0x0  }
0x4e: {  	[sflag:s23] =	ssyncadd.s32 $0xFFFFFFB0  }
0x4f: {  	_ =	swait.ge [sflag:s23], $0x2800  }
0x50: {  	[sflag:s23] =	ssyncset.done $0x0  }
0x51: {  	[sflag:s23] =	ssyncadd.s32 $0xFFFFD800  }
0x52: {  	[spmem:s1] =	stream.indirect.scatter.add.f32 [tilespmem:s2], [sflag:$0x3], $0x80, s22, s24, $0xb8;
	[tilespmem:$0x18980] =	vst v63  }
0x53: {  	_ =	swait.ge [sflag:s30], $0x2800  }
0x54: {  	[sflag:s30] =	ssyncset.done $0x0  }
0x55: {  	s12 =	sadd.s32 $0xFFFFFFF6, s21;
	s13 =	sadd.s32 @!p5 $0x0, s8;
	[sflag:s30] =	ssyncadd.s32 $0xFFFFD800  }
0x56: {  	[tilespmem:s25], [sflag:$0x2] =	stream.linear.gather [hbm4b:s12+s2], $0x50, $0x38;
	[tilespmem:$0x18980] =	vst v63  }
0x57: {  	s14 =	sadd.s32 @p1 $0x0, s9;
	s12 =	sadd.s32 @!p5 $0xF00, s13  }
0x58: {  	[tilespmem:s10], [sflag:$0x2] =	stream.linear.gather @!p5 [hbm4b:s12+s0], $0x2800, $0x38;
	[tilespmem:$0x18980] =	vst v63  }
0x59: {  	s12 =	sadd.s32 @p1 $0xF00, s14  }
0x5a: {  	[tilespmem:s11], [sflag:$0x2] =	stream.linear.gather @p1 [hbm4b:s12+s7], $0x2800, $0x38;
	[tilespmem:$0x18980] =	vst v63  }
0x5b: {  	_ =	swait.ge [sflag:s26], $0x50  }
0x5c: {  	[sflag:s26] =	ssyncset.done $0x0  }
0x5d: {  	[sflag:s26] =	ssyncadd.s32 $0xFFFFFFB0  }
0x5e: {  	_ =	swait.ge [sflag:s26], $0x2800  }
0x5f: {  	[sflag:s26] =	ssyncset.done $0x0  }
0x60: {  	[sflag:s26] =	ssyncadd.s32 $0xFFFFD800  }
0x61: {  	[spmem:s1] =	stream.indirect.scatter.add.f32 [tilespmem:s28], [sflag:$0x4], $0x80, s25, s24, $0xb8;
	[tilespmem:$0x18980] =	vst v63  }
0x62: {  	_ =	swait.ge [sflag:s29], $0x2800  }
0x63: {  	[sflag:s29] =	ssyncset.done $0x0  }
0x64: {  	[sflag:s29] =	ssyncadd.s32 $0xFFFFD800  }
0x65: {  	[tilespmem:s22], [sflag:$0x1] =	stream.linear.gather [hbm4b:s21+s2], $0x50, $0x38;
	[tilespmem:$0x18980] =	vst v63  }
0x66: {  	s12 =	sadd.s32 @!p5 $0x1400, s13  }
0x67: {  	[tilespmem:s0], [sflag:$0x1] =	stream.linear.gather @!p5 [hbm4b:s12+s0], $0x2800, $0x38;
	[tilespmem:$0x18980] =	vst v63  }
0x68: {  	s14 =	sadd.s32 @p1 $0x1400, s14;
	s13 =	sadd.s32 $0x14, s21;
	s12 =	simm.s32 $0xA00  }
.LBB2_2:
0x69: {  	[tilespmem:s7], [sflag:$0x1] =	stream.linear.gather @p1 [hbm4b:s14+s7], $0x2800, $0x38;
	[tilespmem:$0x18980] =	vst v63  }
0x6a: {  	s14 =	smov.u32 s12;
	s12 =	sadd.s32 $0xA00, s12;
	_ =	swait.ge [sflag:s23], $0x50  }
0x6b: {  	p3 =	sne.s32 s12, $0x26200;
	[sflag:s23] =	ssyncset.done $0x0  }
0x6c: {  	[sflag:s23] =	ssyncadd.s32 $0xFFFFFFB0  }
0x6d: {  	_ =	swait.ge [sflag:s23], $0x2800  }
0x6e: {  	[sflag:s23] =	ssyncset.done $0x0  }
0x6f: {  	[sflag:s23] =	ssyncadd.s32 $0xFFFFD800  }
0x70: {  	[spmem:s1] =	stream.indirect.scatter.add.f32 [tilespmem:s2], [sflag:$0x3], $0x80, s22, s24, $0xb8;
	[tilespmem:$0x18980] =	vst v63  }
0x71: {  	_ =	swait.ge [sflag:s30], $0x2800  }
0x72: {  	[sflag:s30] =	ssyncset.done $0x0  }
0x73: {  	s15 =	sadd.s32 $0xFFFFFFF6, s13;
	s16 =	sadd.s32 @!p5 s14, s8;
	[sflag:s30] =	ssyncadd.s32 $0xFFFFD800  }
0x74: {  	[tilespmem:s25], [sflag:$0x2] =	stream.linear.gather [hbm4b:s15+s2], $0x50, $0x38;
	[tilespmem:$0x18980] =	vst v63  }
0x75: {  	s14 =	sadd.s32 @p1 s14, s9;
	s15 =	sadd.s32 @!p5 $0xF00, s16  }
0x76: {  	[tilespmem:s10], [sflag:$0x2] =	stream.linear.gather @!p5 [hbm4b:s15+s0], $0x2800, $0x38;
	[tilespmem:$0x18980] =	vst v63  }
0x77: {  	s15 =	sadd.s32 @p1 $0xF00, s14  }
0x78: {  	[tilespmem:s11], [sflag:$0x2] =	stream.linear.gather @p1 [hbm4b:s15+s7], $0x2800, $0x38;
	[tilespmem:$0x18980] =	vst v63  }
0x79: {  	_ =	swait.ge [sflag:s26], $0x50  }
0x7a: {  	[sflag:s26] =	ssyncset.done $0x0  }
0x7b: {  	[sflag:s26] =	ssyncadd.s32 $0xFFFFFFB0  }
0x7c: {  	_ =	swait.ge [sflag:s26], $0x2800  }
0x7d: {  	[sflag:s26] =	ssyncset.done $0x0  }
0x7e: {  	[sflag:s26] =	ssyncadd.s32 $0xFFFFD800  }
0x7f: {  	[spmem:s1] =	stream.indirect.scatter.add.f32 [tilespmem:s28], [sflag:$0x4], $0x80, s25, s24, $0xb8;
	[tilespmem:$0x18980] =	vst v63  }
0x80: {  	_ =	swait.ge [sflag:s29], $0x2800  }
0x81: {  	[sflag:s29] =	ssyncset.done $0x0  }
.Ltmp0:
0x82: {  	[sflag:s29] =	ssyncadd.s32 $0xFFFFD800;
	(pc) =	sbr.rel @p3 .LBB2_2-.Ltmp0, $4  }
0x83: {  	[tilespmem:s22], [sflag:$0x1] =	stream.linear.gather [hbm4b:s13+s2], $0x50, $0x38;
	[tilespmem:$0x18980] =	vst v63  }
0x84: {  	s15 =	sadd.s32 @!p5 $0x1400, s16  }
0x85: {  	[tilespmem:s0], [sflag:$0x1] =	stream.linear.gather @!p5 [hbm4b:s15+s0], $0x2800, $0x38;
	[tilespmem:$0x18980] =	vst v63  }
0x86: {  	s14 =	sadd.s32 @p1 $0x1400, s14;
	s13 =	sadd.s32 $0x14, s13  }
0x87: {  	[tilespmem:s7], [sflag:$0x1] =	stream.linear.gather @p1 [hbm4b:s14+s7], $0x2800, $0x38;
	[tilespmem:$0x18980] =	vst v63  }
0x88: {  	_ =	swait.ge [sflag:s23], $0x50  }
0x89: {  	[sflag:s23] =	ssyncset.done $0x0  }
0x8a: {  	[sflag:s23] =	ssyncadd.s32 $0xFFFFFFB0  }
0x8b: {  	_ =	swait.ge [sflag:s23], $0x2800  }
0x8c: {  	[sflag:s23] =	ssyncset.done $0x0  }
0x8d: {  	[sflag:s23] =	ssyncadd.s32 $0xFFFFD800  }
0x8e: {  	[spmem:s1] =	stream.indirect.scatter.add.f32 [tilespmem:s2], [sflag:$0x3], $0x80, s22, s24, $0xb8;
	[tilespmem:$0x18980] =	vst v63  }
0x8f: {  	_ =	swait.ge [sflag:s30], $0x2800  }
0x90: {  	[sflag:s30] =	ssyncset.done $0x0  }
0x91: {  	[sflag:s30] =	ssyncadd.s32 $0xFFFFD800  }
0x92: {  	_ =	swait.ge [sflag:s29], $0x2800  }
0x93: {  	[sflag:s29] =	ssyncset.done $0x0  }
0x94: {  	[sflag:s29] =	ssyncadd.s32 $0xFFFFD800  }
0x95: {  	s0 =	sshll.u32 @p2 s3, $0x6;
	[bflag:$0x0] =	sbarrier.arrive $0xFFFF  }
0x96: {  	s7 =	sshrl.u32 @p2 s6, $0x3;
	s0 =	sor.u32 @p2 $0x1C05, s0;
	s10 =	rddreg [dreg:$0x5]  }
0x97: {  	[hbm:s10], [sflag:s0] =	dma.local @p2 [spmem:s7], $0x2800  }
0x98: {  	s0 =	simm.s32 @p2 $0x5  }
0x99: {  	_ =	swait.ge @p2 [sflag:s0], $0x2800  }
0x9a: {  	s7 =	sshll.u32 @!p6 s3, $0x6;
	[sflag:s0] =	ssyncset.done @p2 $0x0;
	s10 =	rddreg [dreg:$0x6]  }
0x9b: {  	[sflag:s0] =	ssyncadd.s32 @p2 $0xFFFFD800;
	s0 =	sor.u32 @!p6 $0x1C05, s7;
	s7 =	sshrl.u32 @!p6 s6, $0x3  }
0x9c: {  	[hbm:s10], [sflag:s0] =	dma.local @!p6 [spmem:s7], $0x2800  }
0x9d: {  	s0 =	simm.s32 @!p6 $0x5  }
0x9e: {  	_ =	swait.ge @!p6 [sflag:s0], $0x2800  }
0x9f: {  	s15 =	sld [smem:$0x7FD];
	_ =	sdelay $0x2  }
0xa0: {  	[sflag:s0] =	ssyncset.done @!p6 $0x0;
	s10 =	rddreg [dreg:$0x7];
	p3 =	seq.s32 s15, $0x1  }
0xa1: {  	[sflag:s0] =	ssyncadd.s32 @!p6 $0xFFFFD800;
	s0 =	sshrl.u32 @p3 s5, $0x3;
	s7 =	simm.s32 @p3 $0x1FC5  }
0xa2: {  	[hbm:s10], [sflag:s7] =	dma.local @p3 [spmem:s0], $0x1900  }
0xa3: {  	s0 =	simm.s32 @p3 $0x5  }
0xa4: {  	_ =	swait.ge @p3 [sflag:s0], $0x1900  }
0xa5: {  	s7 =	simm.s32 @p4 $0x1FC5;
	[sflag:s0] =	ssyncset.done @p3 $0x0  }
0xa6: {  	s10 =	rddreg [dreg:$0x8];
	[sflag:s0] =	ssyncadd.s32 @p3 $0xFFFFE700;
	s0 =	sshrl.u32 @p4 s5, $0x3  }
0xa7: {  	[hbm:s10], [sflag:s7] =	dma.local @p4 [spmem:s0], $0x1900  }
0xa8: {  	s0 =	simm.s32 @p4 $0x5  }
0xa9: {  	_ =	swait.ge @p4 [sflag:s0], $0x1900  }
0xaa: {  	s31 =	sadd.s32 $0x1, s31;
	s16 =	rddreg [dreg:$0x9]  }
0xab: {  	p3 =	sne.s32 s31, s16  }
.Ltmp1:
0xac: {  	_ = 	snop;
	(pc) =	sbr.rel @p3 .LBB2_1-.Ltmp1, $3  }
0xad: {  	_ =	sdelay $0x1  }
0xae: {  	[sflag:s0] =	ssyncset.done @p4 $0x0  }
0xaf: {  	[sflag:s0] =	ssyncadd.s32 @p4 $0xFFFFE700  }
0xb0: {  	_ =	sfence.sel $0x180000  }
0xb1: {  	[bflag:$0x0] =	sbarrier.arrive $0xFFFF  }
0xb2: {  	_ =	strace $0x90000047  }
0xb3: {  	[bflag:$0x2] =	sbarrier.arrive $0xFFFF  }
0xb4: {  	p0 =	sne.s32 s3, $0x0;
	s0 =	rddreg [dreg:$0x3]  }
0xb5: {  	s0 =	sadd.s32 @!p0 $0x100000, s0  }
0xb6: {  	[sflag:s0] =	ssyncadd.tile.s32 @!p0 $0x1;
	_ =	shalt  }
.Lfunc_end2:
_tile_overlayer_lowered:
.L_overlay_start_2:
0xb7: {  	(tag) =	ssettag $0x2  }
0xb8: {  	s0 =	rddreg [dreg:$0x0];
	s2 =	stileid.u32  }
0xb9: {  	s1 =	rddreg [dreg:$0x1];
	p0 =	sne.s32 s2, $0x0  }
0xba: {  	s3 =	rddreg [dreg:$0x2];
	[bflag:$0x3] =	sbarrier.arrive $0xFFFF;
	s2 =	simm.s32 @!p0 $0x1C05  }
0xbb: {  	[timem:s3], [sflag:s2] =	dma.local @!p0 [hbm:s0], s1  }
0xbc: {  	s0 =	simm.s32 @!p0 $0x5  }
0xbd: {  	_ =	swait.ge @!p0 [sflag:s0], s1  }
0xbe: {  	s1 =	ssub.s32 @!p0 $0x0, s1;
	[sflag:s0] =	ssyncset.done @!p0 $0x0  }
0xbf: {  	[sflag:s0] =	ssyncadd.s32 @!p0 s1  }
0xc0: {  	[bflag:$0x3] =	sbarrier.arrive $0xFFFF  }
0xc1: {  	_ =	shalt  }

</sc_bundles>
